<compile_context>
chip_gen: v7x
topology: tpu7x:2x2x1
jax: 0.10.2.dev20260603
libtpu: 0.0.44.dev20260713+nightly
codegen_flags: <defaults>
</compile_context>

<pallas_src>
import functools

import jax
import jax.numpy as jnp
from jax import lax
from jax.experimental import pallas as pl
from jax.experimental.pallas import tpu as pltpu
from jax.experimental.pallas import tpu_sc as plsc

_NTAP = 4
_NW = 32
_KC = 128
_EBF = 3200


def _sc_gather(table, idx):
    n, = idx.shape
    _, c = table.shape
    per_w = n // _NW
    nfull = per_w // _KC
    tail = per_w - nfull * _KC
    ns = 6 if nfull % 6 == 0 else 3
    nf = 4 if ns == 6 else 2
    assert nfull % ns == 0 and nfull >= 2 * ns

    mesh = plsc.VectorSubcoreMesh(core_axis_name="c", subcore_axis_name="s")

    @functools.partial(
        pl.kernel,
        mesh=mesh,
        out_type=jax.ShapeDtypeStruct((n, c), table.dtype),
        scratch_types=[
            pltpu.VMEM((per_w,), jnp.int32),
        ] + [pltpu.VMEM((_KC, c), table.dtype)] * ns
          + [pltpu.SemaphoreType.DMA] * (2 * ns),
    )
    def gather_kernel(table_hbm, idx_hbm, out_hbm, idx_v, *bufs):
        rows = bufs[:ns]
        semg = bufs[ns:2 * ns]
        semw = bufs[2 * ns:3 * ns]
        wid = lax.axis_index("s") * 2 + lax.axis_index("c")
        base_w = wid * per_w

        pltpu.sync_copy(idx_hbm.at[pl.ds(base_w, per_w)], idx_v)

        def g_idx(m):
            return idx_v.at[pl.ds(m * _KC, _KC)]

        for m in range(nf):
            pltpu.async_copy(table_hbm.at[g_idx(m)], rows[m], semg[m])

        def step(j, carry):
            for k in range(ns):
                m = ns * j + k
                sl = (k + nf) % ns

                @pl.when(m + nf < nfull)
                def _launch():
                    @pl.when(m + nf >= ns)
                    def _reclaim():
                        pltpu.make_async_copy(
                            rows[sl], out_hbm.at[pl.ds(base_w, _KC)],
                            semw[sl]).wait()
                    pltpu.async_copy(
                        table_hbm.at[g_idx(m + nf)], rows[sl], semg[sl])

                pltpu.make_async_copy(
                    table_hbm.at[g_idx(m)], rows[k], semg[k]).wait()
                pltpu.async_copy(
                    rows[k], out_hbm.at[pl.ds(base_w + m * _KC, _KC)], semw[k])
            return carry

        lax.fori_loop(0, nfull // ns, step, 0)
        for m in range(nfull - ns, nfull):
            pltpu.make_async_copy(
                rows[m % ns], out_hbm.at[pl.ds(base_w, _KC)],
                semw[m % ns]).wait()
        if tail:
            tb = base_w + nfull * _KC
            pltpu.async_copy(
                table_hbm.at[idx_v.at[pl.ds(nfull * _KC, tail)]],
                rows[0].at[pl.ds(0, tail)], semg[0]).wait()
            pltpu.sync_copy(
                rows[0].at[pl.ds(0, tail)], out_hbm.at[pl.ds(tb, tail)])

    return gather_kernel(table, idx)


def _tc_fused(xt, taps, wc, gamma, beta):
    e, c = xt.shape
    nb = e // _EBF
    inv_e = 1.0 / e

    def body(xt_ref, taps_ref, wc_ref, ga_ref, be_ref, o_ref,
             y_scr, s1, s2, sc_s, sh_s):
        p = pl.program_id(0)
        i = pl.program_id(1)

        @pl.when(p == 0)
        def _conv():
            bf = jnp.bfloat16
            xv = xt_ref[...].astype(bf)
            a = taps_ref[0]
            bb = taps_ref[1]
            cc = taps_ref[2]
            dd = taps_ref[3]
            h = jnp.concatenate(
                [xv, (a + cc).astype(bf), (bb + dd).astype(bf),
                 jnp.abs(a - cc).astype(bf), jnp.abs(bb - dd).astype(bf)],
                axis=1)
            y = jnp.dot(h, wc_ref[...], preferred_element_type=jnp.float32)
            y_scr[pl.ds(i * _EBF, _EBF), :] = y.astype(bf)

            @pl.when(i == 0)
            def _init():
                s1[...] = jnp.zeros_like(s1)
                s2[...] = jnp.zeros_like(s2)

            s1[...] += jnp.sum(y, axis=0, keepdims=True)
            s2[...] += jnp.sum(y * y, axis=0, keepdims=True)

        @pl.when(p == 1)
        def _bn():
            @pl.when(i == 0)
            def _finalize():
                mean = s1[...] * inv_e
                var = s2[...] * inv_e - mean * mean
                inv = ga_ref[...] * jax.lax.rsqrt(var + 1e-5)
                sc_s[...] = inv
                sh_s[...] = be_ref[...] - mean * inv

            yv = y_scr[pl.ds(i * _EBF, _EBF), :].astype(jnp.float32)
            z = jnp.maximum(yv * sc_s[...] + sh_s[...], 0.0)
            o_ref[...] = z.T

    return pl.pallas_call(
        body,
        grid=(2, nb),
        in_specs=[
            pl.BlockSpec((_EBF, c), lambda p, i: (i * (1 - p), 0)),
            pl.BlockSpec((_NTAP, _EBF, c), lambda p, i: (0, i * (1 - p), 0)),
            pl.BlockSpec((5 * c, c), lambda p, i: (0, 0)),
            pl.BlockSpec((1, c), lambda p, i: (0, 0)),
            pl.BlockSpec((1, c), lambda p, i: (0, 0)),
        ],
        out_specs=pl.BlockSpec((c, _EBF), lambda p, i: (0, i * p)),
        out_shape=jax.ShapeDtypeStruct((c, e), jnp.float32),
        scratch_shapes=[
            pltpu.VMEM((e, c), jnp.bfloat16),
            pltpu.VMEM((1, c), jnp.float32),
            pltpu.VMEM((1, c), jnp.float32),
            pltpu.VMEM((1, c), jnp.float32),
            pltpu.VMEM((1, c), jnp.float32),
        ],
        compiler_params=pltpu.CompilerParams(
            vmem_limit_bytes=110 * 1024 * 1024),
    )(xt, taps, wc, gamma[None], beta[None])


def kernel(x, gemm, W, b, gamma, beta):
    _, c_in, e = x.shape
    c_out = W.shape[0]

    xt = jnp.swapaxes(x[0], 0, 1)
    idx = jnp.swapaxes(gemm[0], 0, 1).reshape(-1)
    taps = _sc_gather(xt, idx).reshape(_NTAP, e, c_in)

    wc = jnp.transpose(W, (2, 1, 0)).reshape(5 * c_in, c_out).astype(jnp.bfloat16)
    out = _tc_fused(xt, taps, wc, gamma, beta)[None]
    return (out, gemm)

# --- scband reference (transcript-rebuilt; emitter-appended) ---
"""Pipeline reference for scband-mesh-cnnblock-627065225595 (READ-ONLY COPY).

The authoritative reference and input builder live on the scoring server;
editing this copy changes nothing except your own understanding.
"""

import jax, jax.numpy as jnp
import numpy as np

B = 1
E = 160000
C_IN = 128
C_OUT = 128

def setup_inputs(seed: int = 0) -> dict:
    key = jax.random.key(seed)
    k1, k2, k3, k4, k5 = jax.random.split(key, 5)
    x = jax.random.normal(k1, (B, C_IN, E), dtype=jnp.float32)
    gemm = jax.random.randint(k2, (B, E, 4), 0, E, dtype=jnp.int32)
    # MeshConv parameters: conv2d kernel (1,5) over the symmetric GeMM features
    W = jax.random.normal(k3, (C_OUT, C_IN, 5), dtype=jnp.float32) * 0.02
    b = jnp.zeros((C_OUT,), dtype=jnp.float32)
    # BatchNorm1d affine parameters
    gamma = 1.0 + 0.1 * jax.random.normal(k4, (C_OUT,), dtype=jnp.float32)
    beta = 0.1 * jax.random.normal(k5, (C_OUT,), dtype=jnp.float32)
    return {"x": x, "gemm": gemm, "W": W, "b": b, "gamma": gamma, "beta": beta}

def reference(x, gemm, W, b, gamma, beta):
    # ---- MeshConv (MeshCNN, Hanocka et al.) ----
    # gather 4 ring-neighbor edge features: [B, C, E, 4]
    f_n = jax.vmap(lambda xb, gb: xb[:, gb])(x, gemm)
    a = f_n[..., 0]
    bb = f_n[..., 1]
    c = f_n[..., 2]
    d = f_n[..., 3]
    # symmetric functions to get order-invariance, stacked as 5-tap signal
    G = jnp.stack([x, a + c, bb + d, jnp.abs(a - c), jnp.abs(bb - d)], axis=-1)  # [B,C,E,5]
    # conv2d with kernel (1,5) == contraction over (in_channel, tap)
    y = jnp.einsum('bcek,ock->boe', G, W) + b[None, :, None]  # [B, C_OUT, E]
    # ---- BatchNorm1d (training mode: batch statistics over (B, E)) ----
    mean = jnp.mean(y, axis=(0, 2), keepdims=True)
    var = jnp.var(y, axis=(0, 2), keepdims=True)
    yhat = (y - mean) / jnp.sqrt(var + 1e-5)
    y = gamma[None, :, None] * yhat + beta[None, :, None]
    # ---- ReLU ----
    out = jnp.maximum(y, 0.0)
    # pool_ratio is None -> no MeshPool; return (x, mesh)
    return (out, gemm)

if __name__ == "__main__":
    import jax
    _d = setup_inputs()
    print(jax.jit(kernel)(*tuple(_d.values())))

</pallas_src>

<mosaic_0001>
#map = affine_map<(d0, d1) -> (0, 0)>
#map1 = affine_map<(d0, d1) -> (0)>
module attributes {stable_mosaic.version = 14 : i64} {
  func.func @gather_kernel(%arg0: i32, %arg1: i32, %arg2: memref<160000x128xf32, #tpu.memory_space<hbm>>, %arg3: memref<640000xi32, #tpu.memory_space<hbm>>, %arg4: memref<640000x128xf32, #tpu.memory_space<hbm>>, %arg5: memref<20000xi32, #tpu.memory_space<vmem>>, %arg6: memref<128x128xf32, #tpu.memory_space<vmem>>, %arg7: memref<128x128xf32, #tpu.memory_space<vmem>>, %arg8: memref<128x128xf32, #tpu.memory_space<vmem>>, %arg9: memref<128x128xf32, #tpu.memory_space<vmem>>, %arg10: memref<128x128xf32, #tpu.memory_space<vmem>>, %arg11: memref<128x128xf32, #tpu.memory_space<vmem>>, %arg12: memref<!tpu.dma_semaphore, #tpu.memory_space<semaphore_mem>>, %arg13: memref<!tpu.dma_semaphore, #tpu.memory_space<semaphore_mem>>, %arg14: memref<!tpu.dma_semaphore, #tpu.memory_space<semaphore_mem>>, %arg15: memref<!tpu.dma_semaphore, #tpu.memory_space<semaphore_mem>>, %arg16: memref<!tpu.dma_semaphore, #tpu.memory_space<semaphore_mem>>, %arg17: memref<!tpu.dma_semaphore, #tpu.memory_space<semaphore_mem>>, %arg18: memref<!tpu.dma_semaphore, #tpu.memory_space<semaphore_mem>>, %arg19: memref<!tpu.dma_semaphore, #tpu.memory_space<semaphore_mem>>, %arg20: memref<!tpu.dma_semaphore, #tpu.memory_space<semaphore_mem>>, %arg21: memref<!tpu.dma_semaphore, #tpu.memory_space<semaphore_mem>>, %arg22: memref<!tpu.dma_semaphore, #tpu.memory_space<semaphore_mem>>, %arg23: memref<!tpu.dma_semaphore, #tpu.memory_space<semaphore_mem>>) attributes {dimension_semantics = [#tpu.dimension_semantics<core_parallel>, #tpu.dimension_semantics<subcore_parallel>], iteration_bounds = array<i64: 2, 16>, scalar_prefetch = 0 : i64, scratch_operands = 19 : i64, tpu.core_type = #tpu.core_type<sc_vector_subcore>, window_params = [{transform_indices = #map}, {transform_indices = #map1}, {transform_indices = #map}]} {
    %mul3A = arith.constant 2 : i32
    %mul3A_0 = arith.muli %arg1, %mul3A : i32
    %add3A = arith.addi %mul3A_0, %arg0 : i32
    %mul3A_1 = arith.constant 20000 : i32
    %mul3A_2 = arith.muli %add3A, %mul3A_1 : i32
    "tpu.region"() ({
      %run_scoped3A = tpu.sem_alloc : memref<!tpu.dma_semaphore, #tpu.memory_space<semaphore_mem>>
      %dma_start3A_68 = tpu.memref_slice %arg3[%mul3A_2] : memref<640000xi32, #tpu.memory_space<hbm>> -> memref<20000xi32, #tpu.memory_space<hbm>>
      %dma_start3A_69 = tpu.memref_slice %arg3[%mul3A_2] : memref<640000xi32, #tpu.memory_space<hbm>> -> memref<20000xi32, #tpu.memory_space<hbm>>
      tpu.enqueue_dma source(%dma_start3A_69 : memref<20000xi32, #tpu.memory_space<hbm>>) target(%arg5 : memref<20000xi32, #tpu.memory_space<vmem>>) target_semaphore(%run_scoped3A : memref<!tpu.dma_semaphore, #tpu.memory_space<semaphore_mem>>)
      %dma_wait3A_70 = tpu.memref_slice %arg3[%mul3A_2] : memref<640000xi32, #tpu.memory_space<hbm>> -> memref<20000xi32, #tpu.memory_space<hbm>>
      %dma_wait3A_71 = tpu.memref_slice %arg3[%mul3A_2] : memref<640000xi32, #tpu.memory_space<hbm>> -> memref<20000xi32, #tpu.memory_space<hbm>>
      tpu.wait_dma2 semaphore(%run_scoped3A : memref<!tpu.dma_semaphore, #tpu.memory_space<semaphore_mem>>) src(%dma_wait3A_71 : memref<20000xi32, #tpu.memory_space<hbm>>) dst(%arg5 : memref<20000xi32, #tpu.memory_space<vmem>>)
      tpu.yield
    }) : () -> ()
    %dma_start3A = arith.constant 0 : i32
    %dma_start3A_3 = tpu.memref_slice %arg5[%dma_start3A] : memref<20000xi32, #tpu.memory_space<vmem>> -> memref<128xi32, #tpu.memory_space<vmem>>
    %dma_start3A_4 = arith.constant 0 : i32
    %dma_start3A_5 = arith.constant 0 : i32
    %dma_start3A_6 = tpu.memref_slice %arg2[%dma_start3A_4, %dma_start3A_5] : memref<160000x128xf32, #tpu.memory_space<hbm>> -> memref<160000x128xf32, #tpu.memory_space<hbm>>
    tpu.enqueue_indirect_dma source(%dma_start3A_6 : memref<160000x128xf32, #tpu.memory_space<hbm>>) target(%arg6 : memref<128x128xf32, #tpu.memory_space<vmem>>) offsets(%dma_start3A_3 : memref<128xi32, #tpu.memory_space<vmem>>) semaphore(%arg12 : memref<!tpu.dma_semaphore, #tpu.memory_space<semaphore_mem>>)
    %dma_start3A_7 = arith.constant 128 : i32
    %dma_start3A_8 = tpu.memref_slice %arg5[%dma_start3A_7] : memref<20000xi32, #tpu.memory_space<vmem>> -> memref<128xi32, #tpu.memory_space<vmem>>
    %dma_start3A_9 = arith.constant 0 : i32
    %dma_start3A_10 = arith.constant 0 : i32
    %dma_start3A_11 = tpu.memref_slice %arg2[%dma_start3A_9, %dma_start3A_10] : memref<160000x128xf32, #tpu.memory_space<hbm>> -> memref<160000x128xf32, #tpu.memory_space<hbm>>
    tpu.enqueue_indirect_dma source(%dma_start3A_11 : memref<160000x128xf32, #tpu.memory_space<hbm>>) target(%arg7 : memref<128x128xf32, #tpu.memory_space<vmem>>) offsets(%dma_start3A_8 : memref<128xi32, #tpu.memory_space<vmem>>) semaphore(%arg13 : memref<!tpu.dma_semaphore, #tpu.memory_space<semaphore_mem>>)
    %dma_start3A_12 = arith.constant 256 : i32
    %dma_start3A_13 = tpu.memref_slice %arg5[%dma_start3A_12] : memref<20000xi32, #tpu.memory_space<vmem>> -> memref<128xi32, #tpu.memory_space<vmem>>
    %dma_start3A_14 = arith.constant 0 : i32
    %dma_start3A_15 = arith.constant 0 : i32
    %dma_start3A_16 = tpu.memref_slice %arg2[%dma_start3A_14, %dma_start3A_15] : memref<160000x128xf32, #tpu.memory_space<hbm>> -> memref<160000x128xf32, #tpu.memory_space<hbm>>
    tpu.enqueue_indirect_dma source(%dma_start3A_16 : memref<160000x128xf32, #tpu.memory_space<hbm>>) target(%arg8 : memref<128x128xf32, #tpu.memory_space<vmem>>) offsets(%dma_start3A_13 : memref<128xi32, #tpu.memory_space<vmem>>) semaphore(%arg14 : memref<!tpu.dma_semaphore, #tpu.memory_space<semaphore_mem>>)
    %dma_start3A_17 = arith.constant 384 : i32
    %dma_start3A_18 = tpu.memref_slice %arg5[%dma_start3A_17] : memref<20000xi32, #tpu.memory_space<vmem>> -> memref<128xi32, #tpu.memory_space<vmem>>
    %dma_start3A_19 = arith.constant 0 : i32
    %dma_start3A_20 = arith.constant 0 : i32
    %dma_start3A_21 = tpu.memref_slice %arg2[%dma_start3A_19, %dma_start3A_20] : memref<160000x128xf32, #tpu.memory_space<hbm>> -> memref<160000x128xf32, #tpu.memory_space<hbm>>
    tpu.enqueue_indirect_dma source(%dma_start3A_21 : memref<160000x128xf32, #tpu.memory_space<hbm>>) target(%arg9 : memref<128x128xf32, #tpu.memory_space<vmem>>) offsets(%dma_start3A_18 : memref<128xi32, #tpu.memory_space<vmem>>) semaphore(%arg15 : memref<!tpu.dma_semaphore, #tpu.memory_space<semaphore_mem>>)
    %scan3A = arith.constant 0 : i32
    %scan3A_22 = arith.constant 0 : i32
    %scan3A_23 = arith.constant 26 : i32
    %scan3A_24 = arith.addi %scan3A_22, %scan3A_23 : i32
    %scan3A_25 = arith.constant 1 : i32
    scf.for %scan3A_68 = %scan3A_22 to %scan3A_24 step %scan3A_25  : i32 {
      %mul3A_69 = arith.constant 6 : i32
      %mul3A_70 = arith.muli %mul3A_69, %scan3A_68 : i32
      %add3A_71 = arith.constant 0 : i32
      %add3A_72 = arith.addi %mul3A_70, %add3A_71 : i32
      %add3A_73 = arith.constant 4 : i32
      %add3A_74 = arith.addi %add3A_72, %add3A_73 : i32
      %lt3A = arith.constant 156 : i32
      %lt3A_75 = arith.cmpi slt, %add3A_74, %lt3A : i32
      %convert_element_type3A = arith.extui %lt3A_75 : i1 to i32
      %cond3A = arith.constant 0 : i32
      %cond3A_76 = arith.cmpi ne, %convert_element_type3A, %cond3A : i32
      scf.if %cond3A_76 {
        %add3A_210 = arith.constant 4 : i32
        %add3A_211 = arith.addi %add3A_72, %add3A_210 : i32
        %ge3A = arith.constant 6 : i32
        %ge3A_212 = arith.cmpi sge, %add3A_211, %ge3A : i32
        %convert_element_type3A_213 = arith.extui %ge3A_212 : i1 to i32
        %cond3A_214 = arith.constant 0 : i32
        %cond3A_215 = arith.cmpi ne, %convert_element_type3A_213, %cond3A_214 : i32
        scf.if %cond3A_215 {
          %dma_wait3A_224 = arith.constant 0 : i32
          %dma_wait3A_225 = tpu.memref_slice %arg4[%mul3A_2, %dma_wait3A_224] : memref<640000x128xf32, #tpu.memory_space<hbm>> -> memref<128x128xf32, #tpu.memory_space<hbm>>
          %dma_wait3A_226 = arith.constant 0 : i32
          %dma_wait3A_227 = tpu.memref_slice %arg4[%mul3A_2, %dma_wait3A_226] : memref<640000x128xf32, #tpu.memory_space<hbm>> -> memref<128x128xf32, #tpu.memory_space<hbm>>
          tpu.wait_dma2 semaphore(%arg22 : memref<!tpu.dma_semaphore, #tpu.memory_space<semaphore_mem>>) src(%arg10 : memref<128x128xf32, #tpu.memory_space<vmem>>) dst(%dma_wait3A_227 : memref<128x128xf32, #tpu.memory_space<hbm>>)
        } else {
        }
        %add3A_216 = arith.constant 4 : i32
        %add3A_217 = arith.addi %add3A_72, %add3A_216 : i32
        %mul3A_218 = arith.constant 128 : i32
        %mul3A_219 = arith.muli %add3A_217, %mul3A_218 : i32
        %dma_start3A_220 = tpu.memref_slice %arg5[%mul3A_219] : memref<20000xi32, #tpu.memory_space<vmem>> -> memref<128xi32, #tpu.memory_space<vmem>>
        %dma_start3A_221 = arith.constant 0 : i32
        %dma_start3A_222 = arith.constant 0 : i32
        %dma_start3A_223 = tpu.memref_slice %arg2[%dma_start3A_221, %dma_start3A_222] : memref<160000x128xf32, #tpu.memory_space<hbm>> -> memref<160000x128xf32, #tpu.memory_space<hbm>>
        tpu.enqueue_indirect_dma source(%dma_start3A_223 : memref<160000x128xf32, #tpu.memory_space<hbm>>) target(%arg10 : memref<128x128xf32, #tpu.memory_space<vmem>>) offsets(%dma_start3A_220 : memref<128xi32, #tpu.memory_space<vmem>>) semaphore(%arg16 : memref<!tpu.dma_semaphore, #tpu.memory_space<semaphore_mem>>)
      } else {
      }
      %mul3A_77 = arith.constant 128 : i32
      %mul3A_78 = arith.muli %add3A_72, %mul3A_77 : i32
      %dma_wait3A_79 = tpu.memref_slice %arg5[%mul3A_78] : memref<20000xi32, #tpu.memory_space<vmem>> -> memref<128xi32, #tpu.memory_space<vmem>>
      %dma_wait3A_80 = arith.constant 0 : i32
      %dma_wait3A_81 = arith.constant 0 : i32
      %dma_wait3A_82 = tpu.memref_slice %arg2[%dma_wait3A_80, %dma_wait3A_81] : memref<160000x128xf32, #tpu.memory_space<hbm>> -> memref<160000x128xf32, #tpu.memory_space<hbm>>
      tpu.wait_indirect_dma semaphore(%arg12 : memref<!tpu.dma_semaphore, #tpu.memory_space<semaphore_mem>>) src(%dma_wait3A_82 : memref<160000x128xf32, #tpu.memory_space<hbm>>) dst(%arg6 : memref<128x128xf32, #tpu.memory_space<vmem>>)
      %mul3A_83 = arith.constant 128 : i32
      %mul3A_84 = arith.muli %add3A_72, %mul3A_83 : i32
      %add3A_85 = arith.addi %mul3A_2, %mul3A_84 : i32
      %dma_start3A_86 = arith.constant 0 : i32
      %dma_start3A_87 = tpu.memref_slice %arg4[%add3A_85, %dma_start3A_86] : memref<640000x128xf32, #tpu.memory_space<hbm>> -> memref<128x128xf32, #tpu.memory_space<hbm>>
      %dma_start3A_88 = arith.constant 0 : i32
      %dma_start3A_89 = tpu.memref_slice %arg4[%add3A_85, %dma_start3A_88] : memref<640000x128xf32, #tpu.memory_space<hbm>> -> memref<128x128xf32, #tpu.memory_space<hbm>>
      tpu.enqueue_dma source(%arg6 : memref<128x128xf32, #tpu.memory_space<vmem>>) target(%dma_start3A_89 : memref<128x128xf32, #tpu.memory_space<hbm>>) target_semaphore(%arg18 : memref<!tpu.dma_semaphore, #tpu.memory_space<semaphore_mem>>)
      %mul3A_90 = arith.constant 6 : i32
      %mul3A_91 = arith.muli %mul3A_90, %scan3A_68 : i32
      %add3A_92 = arith.constant 1 : i32
      %add3A_93 = arith.addi %mul3A_91, %add3A_92 : i32
      %add3A_94 = arith.constant 4 : i32
      %add3A_95 = arith.addi %add3A_93, %add3A_94 : i32
      %lt3A_96 = arith.constant 156 : i32
      %lt3A_97 = arith.cmpi slt, %add3A_95, %lt3A_96 : i32
      %convert_element_type3A_98 = arith.extui %lt3A_97 : i1 to i32
      %cond3A_99 = arith.constant 0 : i32
      %cond3A_100 = arith.cmpi ne, %convert_element_type3A_98, %cond3A_99 : i32
      scf.if %cond3A_100 {
        %add3A_210 = arith.constant 4 : i32
        %add3A_211 = arith.addi %add3A_93, %add3A_210 : i32
        %ge3A = arith.constant 6 : i32
        %ge3A_212 = arith.cmpi sge, %add3A_211, %ge3A : i32
        %convert_element_type3A_213 = arith.extui %ge3A_212 : i1 to i32
        %cond3A_214 = arith.constant 0 : i32
        %cond3A_215 = arith.cmpi ne, %convert_element_type3A_213, %cond3A_214 : i32
        scf.if %cond3A_215 {
          %dma_wait3A_224 = arith.constant 0 : i32
          %dma_wait3A_225 = tpu.memref_slice %arg4[%mul3A_2, %dma_wait3A_224] : memref<640000x128xf32, #tpu.memory_space<hbm>> -> memref<128x128xf32, #tpu.memory_space<hbm>>
          %dma_wait3A_226 = arith.constant 0 : i32
          %dma_wait3A_227 = tpu.memref_slice %arg4[%mul3A_2, %dma_wait3A_226] : memref<640000x128xf32, #tpu.memory_space<hbm>> -> memref<128x128xf32, #tpu.memory_space<hbm>>
          tpu.wait_dma2 semaphore(%arg23 : memref<!tpu.dma_semaphore, #tpu.memory_space<semaphore_mem>>) src(%arg11 : memref<128x128xf32, #tpu.memory_space<vmem>>) dst(%dma_wait3A_227 : memref<128x128xf32, #tpu.memory_space<hbm>>)
        } else {
        }
        %add3A_216 = arith.constant 4 : i32
        %add3A_217 = arith.addi %add3A_93, %add3A_216 : i32
        %mul3A_218 = arith.constant 128 : i32
        %mul3A_219 = arith.muli %add3A_217, %mul3A_218 : i32
        %dma_start3A_220 = tpu.memref_slice %arg5[%mul3A_219] : memref<20000xi32, #tpu.memory_space<vmem>> -> memref<128xi32, #tpu.memory_space<vmem>>
        %dma_start3A_221 = arith.constant 0 : i32
        %dma_start3A_222 = arith.constant 0 : i32
        %dma_start3A_223 = tpu.memref_slice %arg2[%dma_start3A_221, %dma_start3A_222] : memref<160000x128xf32, #tpu.memory_space<hbm>> -> memref<160000x128xf32, #tpu.memory_space<hbm>>
        tpu.enqueue_indirect_dma source(%dma_start3A_223 : memref<160000x128xf32, #tpu.memory_space<hbm>>) target(%arg11 : memref<128x128xf32, #tpu.memory_space<vmem>>) offsets(%dma_start3A_220 : memref<128xi32, #tpu.memory_space<vmem>>) semaphore(%arg17 : memref<!tpu.dma_semaphore, #tpu.memory_space<semaphore_mem>>)
      } else {
      }
      %mul3A_101 = arith.constant 128 : i32
      %mul3A_102 = arith.muli %add3A_93, %mul3A_101 : i32
      %dma_wait3A_103 = tpu.memref_slice %arg5[%mul3A_102] : memref<20000xi32, #tpu.memory_space<vmem>> -> memref<128xi32, #tpu.memory_space<vmem>>
      %dma_wait3A_104 = arith.constant 0 : i32
      %dma_wait3A_105 = arith.constant 0 : i32
      %dma_wait3A_106 = tpu.memref_slice %arg2[%dma_wait3A_104, %dma_wait3A_105] : memref<160000x128xf32, #tpu.memory_space<hbm>> -> memref<160000x128xf32, #tpu.memory_space<hbm>>
      tpu.wait_indirect_dma semaphore(%arg13 : memref<!tpu.dma_semaphore, #tpu.memory_space<semaphore_mem>>) src(%dma_wait3A_106 : memref<160000x128xf32, #tpu.memory_space<hbm>>) dst(%arg7 : memref<128x128xf32, #tpu.memory_space<vmem>>)
      %mul3A_107 = arith.constant 128 : i32
      %mul3A_108 = arith.muli %add3A_93, %mul3A_107 : i32
      %add3A_109 = arith.addi %mul3A_2, %mul3A_108 : i32
      %dma_start3A_110 = arith.constant 0 : i32
      %dma_start3A_111 = tpu.memref_slice %arg4[%add3A_109, %dma_start3A_110] : memref<640000x128xf32, #tpu.memory_space<hbm>> -> memref<128x128xf32, #tpu.memory_space<hbm>>
      %dma_start3A_112 = arith.constant 0 : i32
      %dma_start3A_113 = tpu.memref_slice %arg4[%add3A_109, %dma_start3A_112] : memref<640000x128xf32, #tpu.memory_space<hbm>> -> memref<128x128xf32, #tpu.memory_space<hbm>>
      tpu.enqueue_dma source(%arg7 : memref<128x128xf32, #tpu.memory_space<vmem>>) target(%dma_start3A_113 : memref<128x128xf32, #tpu.memory_space<hbm>>) target_semaphore(%arg19 : memref<!tpu.dma_semaphore, #tpu.memory_space<semaphore_mem>>)
      %mul3A_114 = arith.constant 6 : i32
      %mul3A_115 = arith.muli %mul3A_114, %scan3A_68 : i32
      %add3A_116 = arith.constant 2 : i32
      %add3A_117 = arith.addi %mul3A_115, %add3A_116 : i32
      %add3A_118 = arith.constant 4 : i32
      %add3A_119 = arith.addi %add3A_117, %add3A_118 : i32
      %lt3A_120 = arith.constant 156 : i32
      %lt3A_121 = arith.cmpi slt, %add3A_119, %lt3A_120 : i32
      %convert_element_type3A_122 = arith.extui %lt3A_121 : i1 to i32
      %cond3A_123 = arith.constant 0 : i32
      %cond3A_124 = arith.cmpi ne, %convert_element_type3A_122, %cond3A_123 : i32
      scf.if %cond3A_124 {
        %add3A_210 = arith.constant 4 : i32
        %add3A_211 = arith.addi %add3A_117, %add3A_210 : i32
        %ge3A = arith.constant 6 : i32
        %ge3A_212 = arith.cmpi sge, %add3A_211, %ge3A : i32
        %convert_element_type3A_213 = arith.extui %ge3A_212 : i1 to i32
        %cond3A_214 = arith.constant 0 : i32
        %cond3A_215 = arith.cmpi ne, %convert_element_type3A_213, %cond3A_214 : i32
        scf.if %cond3A_215 {
          %dma_wait3A_224 = arith.constant 0 : i32
          %dma_wait3A_225 = tpu.memref_slice %arg4[%mul3A_2, %dma_wait3A_224] : memref<640000x128xf32, #tpu.memory_space<hbm>> -> memref<128x128xf32, #tpu.memory_space<hbm>>
          %dma_wait3A_226 = arith.constant 0 : i32
          %dma_wait3A_227 = tpu.memref_slice %arg4[%mul3A_2, %dma_wait3A_226] : memref<640000x128xf32, #tpu.memory_space<hbm>> -> memref<128x128xf32, #tpu.memory_space<hbm>>
          tpu.wait_dma2 semaphore(%arg18 : memref<!tpu.dma_semaphore, #tpu.memory_space<semaphore_mem>>) src(%arg6 : memref<128x128xf32, #tpu.memory_space<vmem>>) dst(%dma_wait3A_227 : memref<128x128xf32, #tpu.memory_space<hbm>>)
        } else {
        }
        %add3A_216 = arith.constant 4 : i32
        %add3A_217 = arith.addi %add3A_117, %add3A_216 : i32
        %mul3A_218 = arith.constant 128 : i32
        %mul3A_219 = arith.muli %add3A_217, %mul3A_218 : i32
        %dma_start3A_220 = tpu.memref_slice %arg5[%mul3A_219] : memref<20000xi32, #tpu.memory_space<vmem>> -> memref<128xi32, #tpu.memory_space<vmem>>
        %dma_start3A_221 = arith.constant 0 : i32
        %dma_start3A_222 = arith.constant 0 : i32
        %dma_start3A_223 = tpu.memref_slice %arg2[%dma_start3A_221, %dma_start3A_222] : memref<160000x128xf32, #tpu.memory_space<hbm>> -> memref<160000x128xf32, #tpu.memory_space<hbm>>
        tpu.enqueue_indirect_dma source(%dma_start3A_223 : memref<160000x128xf32, #tpu.memory_space<hbm>>) target(%arg6 : memref<128x128xf32, #tpu.memory_space<vmem>>) offsets(%dma_start3A_220 : memref<128xi32, #tpu.memory_space<vmem>>) semaphore(%arg12 : memref<!tpu.dma_semaphore, #tpu.memory_space<semaphore_mem>>)
      } else {
      }
      %mul3A_125 = arith.constant 128 : i32
      %mul3A_126 = arith.muli %add3A_117, %mul3A_125 : i32
      %dma_wait3A_127 = tpu.memref_slice %arg5[%mul3A_126] : memref<20000xi32, #tpu.memory_space<vmem>> -> memref<128xi32, #tpu.memory_space<vmem>>
      %dma_wait3A_128 = arith.constant 0 : i32
      %dma_wait3A_129 = arith.constant 0 : i32
      %dma_wait3A_130 = tpu.memref_slice %arg2[%dma_wait3A_128, %dma_wait3A_129] : memref<160000x128xf32, #tpu.memory_space<hbm>> -> memref<160000x128xf32, #tpu.memory_space<hbm>>
      tpu.wait_indirect_dma semaphore(%arg14 : memref<!tpu.dma_semaphore, #tpu.memory_space<semaphore_mem>>) src(%dma_wait3A_130 : memref<160000x128xf32, #tpu.memory_space<hbm>>) dst(%arg8 : memref<128x128xf32, #tpu.memory_space<vmem>>)
      %mul3A_131 = arith.constant 128 : i32
      %mul3A_132 = arith.muli %add3A_117, %mul3A_131 : i32
      %add3A_133 = arith.addi %mul3A_2, %mul3A_132 : i32
      %dma_start3A_134 = arith.constant 0 : i32
      %dma_start3A_135 = tpu.memref_slice %arg4[%add3A_133, %dma_start3A_134] : memref<640000x128xf32, #tpu.memory_space<hbm>> -> memref<128x128xf32, #tpu.memory_space<hbm>>
      %dma_start3A_136 = arith.constant 0 : i32
      %dma_start3A_137 = tpu.memref_slice %arg4[%add3A_133, %dma_start3A_136] : memref<640000x128xf32, #tpu.memory_space<hbm>> -> memref<128x128xf32, #tpu.memory_space<hbm>>
      tpu.enqueue_dma source(%arg8 : memref<128x128xf32, #tpu.memory_space<vmem>>) target(%dma_start3A_137 : memref<128x128xf32, #tpu.memory_space<hbm>>) target_semaphore(%arg20 : memref<!tpu.dma_semaphore, #tpu.memory_space<semaphore_mem>>)
      %mul3A_138 = arith.constant 6 : i32
      %mul3A_139 = arith.muli %mul3A_138, %scan3A_68 : i32
      %add3A_140 = arith.constant 3 : i32
      %add3A_141 = arith.addi %mul3A_139, %add3A_140 : i32
      %add3A_142 = arith.constant 4 : i32
      %add3A_143 = arith.addi %add3A_141, %add3A_142 : i32
      %lt3A_144 = arith.constant 156 : i32
      %lt3A_145 = arith.cmpi slt, %add3A_143, %lt3A_144 : i32
      %convert_element_type3A_146 = arith.extui %lt3A_145 : i1 to i32
      %cond3A_147 = arith.constant 0 : i32
      %cond3A_148 = arith.cmpi ne, %convert_element_type3A_146, %cond3A_147 : i32
      scf.if %cond3A_148 {
        %add3A_210 = arith.constant 4 : i32
        %add3A_211 = arith.addi %add3A_141, %add3A_210 : i32
        %ge3A = arith.constant 6 : i32
        %ge3A_212 = arith.cmpi sge, %add3A_211, %ge3A : i32
        %convert_element_type3A_213 = arith.extui %ge3A_212 : i1 to i32
        %cond3A_214 = arith.constant 0 : i32
        %cond3A_215 = arith.cmpi ne, %convert_element_type3A_213, %cond3A_214 : i32
        scf.if %cond3A_215 {
          %dma_wait3A_224 = arith.constant 0 : i32
          %dma_wait3A_225 = tpu.memref_slice %arg4[%mul3A_2, %dma_wait3A_224] : memref<640000x128xf32, #tpu.memory_space<hbm>> -> memref<128x128xf32, #tpu.memory_space<hbm>>
          %dma_wait3A_226 = arith.constant 0 : i32
          %dma_wait3A_227 = tpu.memref_slice %arg4[%mul3A_2, %dma_wait3A_226] : memref<640000x128xf32, #tpu.memory_space<hbm>> -> memref<128x128xf32, #tpu.memory_space<hbm>>
          tpu.wait_dma2 semaphore(%arg19 : memref<!tpu.dma_semaphore, #tpu.memory_space<semaphore_mem>>) src(%arg7 : memref<128x128xf32, #tpu.memory_space<vmem>>) dst(%dma_wait3A_227 : memref<128x128xf32, #tpu.memory_space<hbm>>)
        } else {
        }
        %add3A_216 = arith.constant 4 : i32
        %add3A_217 = arith.addi %add3A_141, %add3A_216 : i32
        %mul3A_218 = arith.constant 128 : i32
        %mul3A_219 = arith.muli %add3A_217, %mul3A_218 : i32
        %dma_start3A_220 = tpu.memref_slice %arg5[%mul3A_219] : memref<20000xi32, #tpu.memory_space<vmem>> -> memref<128xi32, #tpu.memory_space<vmem>>
        %dma_start3A_221 = arith.constant 0 : i32
        %dma_start3A_222 = arith.constant 0 : i32
        %dma_start3A_223 = tpu.memref_slice %arg2[%dma_start3A_221, %dma_start3A_222] : memref<160000x128xf32, #tpu.memory_space<hbm>> -> memref<160000x128xf32, #tpu.memory_space<hbm>>
        tpu.enqueue_indirect_dma source(%dma_start3A_223 : memref<160000x128xf32, #tpu.memory_space<hbm>>) target(%arg7 : memref<128x128xf32, #tpu.memory_space<vmem>>) offsets(%dma_start3A_220 : memref<128xi32, #tpu.memory_space<vmem>>) semaphore(%arg13 : memref<!tpu.dma_semaphore, #tpu.memory_space<semaphore_mem>>)
      } else {
      }
      %mul3A_149 = arith.constant 128 : i32
      %mul3A_150 = arith.muli %add3A_141, %mul3A_149 : i32
      %dma_wait3A_151 = tpu.memref_slice %arg5[%mul3A_150] : memref<20000xi32, #tpu.memory_space<vmem>> -> memref<128xi32, #tpu.memory_space<vmem>>
      %dma_wait3A_152 = arith.constant 0 : i32
      %dma_wait3A_153 = arith.constant 0 : i32
      %dma_wait3A_154 = tpu.memref_slice %arg2[%dma_wait3A_152, %dma_wait3A_153] : memref<160000x128xf32, #tpu.memory_space<hbm>> -> memref<160000x128xf32, #tpu.memory_space<hbm>>
      tpu.wait_indirect_dma semaphore(%arg15 : memref<!tpu.dma_semaphore, #tpu.memory_space<semaphore_mem>>) src(%dma_wait3A_154 : memref<160000x128xf32, #tpu.memory_space<hbm>>) dst(%arg9 : memref<128x128xf32, #tpu.memory_space<vmem>>)
      %mul3A_155 = arith.constant 128 : i32
      %mul3A_156 = arith.muli %add3A_141, %mul3A_155 : i32
      %add3A_157 = arith.addi %mul3A_2, %mul3A_156 : i32
      %dma_start3A_158 = arith.constant 0 : i32
      %dma_start3A_159 = tpu.memref_slice %arg4[%add3A_157, %dma_start3A_158] : memref<640000x128xf32, #tpu.memory_space<hbm>> -> memref<128x128xf32, #tpu.memory_space<hbm>>
      %dma_start3A_160 = arith.constant 0 : i32
      %dma_start3A_161 = tpu.memref_slice %arg4[%add3A_157, %dma_start3A_160] : memref<640000x128xf32, #tpu.memory_space<hbm>> -> memref<128x128xf32, #tpu.memory_space<hbm>>
      tpu.enqueue_dma source(%arg9 : memref<128x128xf32, #tpu.memory_space<vmem>>) target(%dma_start3A_161 : memref<128x128xf32, #tpu.memory_space<hbm>>) target_semaphore(%arg21 : memref<!tpu.dma_semaphore, #tpu.memory_space<semaphore_mem>>)
      %mul3A_162 = arith.constant 6 : i32
      %mul3A_163 = arith.muli %mul3A_162, %scan3A_68 : i32
      %add3A_164 = arith.constant 4 : i32
      %add3A_165 = arith.addi %mul3A_163, %add3A_164 : i32
      %add3A_166 = arith.constant 4 : i32
      %add3A_167 = arith.addi %add3A_165, %add3A_166 : i32
      %lt3A_168 = arith.constant 156 : i32
      %lt3A_169 = arith.cmpi slt, %add3A_167, %lt3A_168 : i32
      %convert_element_type3A_170 = arith.extui %lt3A_169 : i1 to i32
      %cond3A_171 = arith.constant 0 : i32
      %cond3A_172 = arith.cmpi ne, %convert_element_type3A_170, %cond3A_171 : i32
      scf.if %cond3A_172 {
        %add3A_210 = arith.constant 4 : i32
        %add3A_211 = arith.addi %add3A_165, %add3A_210 : i32
        %ge3A = arith.constant 6 : i32
        %ge3A_212 = arith.cmpi sge, %add3A_211, %ge3A : i32
        %convert_element_type3A_213 = arith.extui %ge3A_212 : i1 to i32
        %cond3A_214 = arith.constant 0 : i32
        %cond3A_215 = arith.cmpi ne, %convert_element_type3A_213, %cond3A_214 : i32
        scf.if %cond3A_215 {
          %dma_wait3A_224 = arith.constant 0 : i32
          %dma_wait3A_225 = tpu.memref_slice %arg4[%mul3A_2, %dma_wait3A_224] : memref<640000x128xf32, #tpu.memory_space<hbm>> -> memref<128x128xf32, #tpu.memory_space<hbm>>
          %dma_wait3A_226 = arith.constant 0 : i32
          %dma_wait3A_227 = tpu.memref_slice %arg4[%mul3A_2, %dma_wait3A_226] : memref<640000x128xf32, #tpu.memory_space<hbm>> -> memref<128x128xf32, #tpu.memory_space<hbm>>
          tpu.wait_dma2 semaphore(%arg20 : memref<!tpu.dma_semaphore, #tpu.memory_space<semaphore_mem>>) src(%arg8 : memref<128x128xf32, #tpu.memory_space<vmem>>) dst(%dma_wait3A_227 : memref<128x128xf32, #tpu.memory_space<hbm>>)
        } else {
        }
        %add3A_216 = arith.constant 4 : i32
        %add3A_217 = arith.addi %add3A_165, %add3A_216 : i32
        %mul3A_218 = arith.constant 128 : i32
        %mul3A_219 = arith.muli %add3A_217, %mul3A_218 : i32
        %dma_start3A_220 = tpu.memref_slice %arg5[%mul3A_219] : memref<20000xi32, #tpu.memory_space<vmem>> -> memref<128xi32, #tpu.memory_space<vmem>>
        %dma_start3A_221 = arith.constant 0 : i32
        %dma_start3A_222 = arith.constant 0 : i32
        %dma_start3A_223 = tpu.memref_slice %arg2[%dma_start3A_221, %dma_start3A_222] : memref<160000x128xf32, #tpu.memory_space<hbm>> -> memref<160000x128xf32, #tpu.memory_space<hbm>>
        tpu.enqueue_indirect_dma source(%dma_start3A_223 : memref<160000x128xf32, #tpu.memory_space<hbm>>) target(%arg8 : memref<128x128xf32, #tpu.memory_space<vmem>>) offsets(%dma_start3A_220 : memref<128xi32, #tpu.memory_space<vmem>>) semaphore(%arg14 : memref<!tpu.dma_semaphore, #tpu.memory_space<semaphore_mem>>)
      } else {
      }
      %mul3A_173 = arith.constant 128 : i32
      %mul3A_174 = arith.muli %add3A_165, %mul3A_173 : i32
      %dma_wait3A_175 = tpu.memref_slice %arg5[%mul3A_174] : memref<20000xi32, #tpu.memory_space<vmem>> -> memref<128xi32, #tpu.memory_space<vmem>>
      %dma_wait3A_176 = arith.constant 0 : i32
      %dma_wait3A_177 = arith.constant 0 : i32
      %dma_wait3A_178 = tpu.memref_slice %arg2[%dma_wait3A_176, %dma_wait3A_177] : memref<160000x128xf32, #tpu.memory_space<hbm>> -> memref<160000x128xf32, #tpu.memory_space<hbm>>
      tpu.wait_indirect_dma semaphore(%arg16 : memref<!tpu.dma_semaphore, #tpu.memory_space<semaphore_mem>>) src(%dma_wait3A_178 : memref<160000x128xf32, #tpu.memory_space<hbm>>) dst(%arg10 : memref<128x128xf32, #tpu.memory_space<vmem>>)
      %mul3A_179 = arith.constant 128 : i32
      %mul3A_180 = arith.muli %add3A_165, %mul3A_179 : i32
      %add3A_181 = arith.addi %mul3A_2, %mul3A_180 : i32
      %dma_start3A_182 = arith.constant 0 : i32
      %dma_start3A_183 = tpu.memref_slice %arg4[%add3A_181, %dma_start3A_182] : memref<640000x128xf32, #tpu.memory_space<hbm>> -> memref<128x128xf32, #tpu.memory_space<hbm>>
      %dma_start3A_184 = arith.constant 0 : i32
      %dma_start3A_185 = tpu.memref_slice %arg4[%add3A_181, %dma_start3A_184] : memref<640000x128xf32, #tpu.memory_space<hbm>> -> memref<128x128xf32, #tpu.memory_space<hbm>>
      tpu.enqueue_dma source(%arg10 : memref<128x128xf32, #tpu.memory_space<vmem>>) target(%dma_start3A_185 : memref<128x128xf32, #tpu.memory_space<hbm>>) target_semaphore(%arg22 : memref<!tpu.dma_semaphore, #tpu.memory_space<semaphore_mem>>)
      %mul3A_186 = arith.constant 6 : i32
      %mul3A_187 = arith.muli %mul3A_186, %scan3A_68 : i32
      %add3A_188 = arith.constant 5 : i32
      %add3A_189 = arith.addi %mul3A_187, %add3A_188 : i32
      %add3A_190 = arith.constant 4 : i32
      %add3A_191 = arith.addi %add3A_189, %add3A_190 : i32
      %lt3A_192 = arith.constant 156 : i32
      %lt3A_193 = arith.cmpi slt, %add3A_191, %lt3A_192 : i32
      %convert_element_type3A_194 = arith.extui %lt3A_193 : i1 to i32
      %cond3A_195 = arith.constant 0 : i32
      %cond3A_196 = arith.cmpi ne, %convert_element_type3A_194, %cond3A_195 : i32
      scf.if %cond3A_196 {
        %add3A_210 = arith.constant 4 : i32
        %add3A_211 = arith.addi %add3A_189, %add3A_210 : i32
        %ge3A = arith.constant 6 : i32
        %ge3A_212 = arith.cmpi sge, %add3A_211, %ge3A : i32
        %convert_element_type3A_213 = arith.extui %ge3A_212 : i1 to i32
        %cond3A_214 = arith.constant 0 : i32
        %cond3A_215 = arith.cmpi ne, %convert_element_type3A_213, %cond3A_214 : i32
        scf.if %cond3A_215 {
          %dma_wait3A_224 = arith.constant 0 : i32
          %dma_wait3A_225 = tpu.memref_slice %arg4[%mul3A_2, %dma_wait3A_224] : memref<640000x128xf32, #tpu.memory_space<hbm>> -> memref<128x128xf32, #tpu.memory_space<hbm>>
          %dma_wait3A_226 = arith.constant 0 : i32
          %dma_wait3A_227 = tpu.memref_slice %arg4[%mul3A_2, %dma_wait3A_226] : memref<640000x128xf32, #tpu.memory_space<hbm>> -> memref<128x128xf32, #tpu.memory_space<hbm>>
          tpu.wait_dma2 semaphore(%arg21 : memref<!tpu.dma_semaphore, #tpu.memory_space<semaphore_mem>>) src(%arg9 : memref<128x128xf32, #tpu.memory_space<vmem>>) dst(%dma_wait3A_227 : memref<128x128xf32, #tpu.memory_space<hbm>>)
        } else {
        }
        %add3A_216 = arith.constant 4 : i32
        %add3A_217 = arith.addi %add3A_189, %add3A_216 : i32
        %mul3A_218 = arith.constant 128 : i32
        %mul3A_219 = arith.muli %add3A_217, %mul3A_218 : i32
        %dma_start3A_220 = tpu.memref_slice %arg5[%mul3A_219] : memref<20000xi32, #tpu.memory_space<vmem>> -> memref<128xi32, #tpu.memory_space<vmem>>
        %dma_start3A_221 = arith.constant 0 : i32
        %dma_start3A_222 = arith.constant 0 : i32
        %dma_start3A_223 = tpu.memref_slice %arg2[%dma_start3A_221, %dma_start3A_222] : memref<160000x128xf32, #tpu.memory_space<hbm>> -> memref<160000x128xf32, #tpu.memory_space<hbm>>
        tpu.enqueue_indirect_dma source(%dma_start3A_223 : memref<160000x128xf32, #tpu.memory_space<hbm>>) target(%arg9 : memref<128x128xf32, #tpu.memory_space<vmem>>) offsets(%dma_start3A_220 : memref<128xi32, #tpu.memory_space<vmem>>) semaphore(%arg15 : memref<!tpu.dma_semaphore, #tpu.memory_space<semaphore_mem>>)
      } else {
      }
      %mul3A_197 = arith.constant 128 : i32
      %mul3A_198 = arith.muli %add3A_189, %mul3A_197 : i32
      %dma_wait3A_199 = tpu.memref_slice %arg5[%mul3A_198] : memref<20000xi32, #tpu.memory_space<vmem>> -> memref<128xi32, #tpu.memory_space<vmem>>
      %dma_wait3A_200 = arith.constant 0 : i32
      %dma_wait3A_201 = arith.constant 0 : i32
      %dma_wait3A_202 = tpu.memref_slice %arg2[%dma_wait3A_200, %dma_wait3A_201] : memref<160000x128xf32, #tpu.memory_space<hbm>> -> memref<160000x128xf32, #tpu.memory_space<hbm>>
      tpu.wait_indirect_dma semaphore(%arg17 : memref<!tpu.dma_semaphore, #tpu.memory_space<semaphore_mem>>) src(%dma_wait3A_202 : memref<160000x128xf32, #tpu.memory_space<hbm>>) dst(%arg11 : memref<128x128xf32, #tpu.memory_space<vmem>>)
      %mul3A_203 = arith.constant 128 : i32
      %mul3A_204 = arith.muli %add3A_189, %mul3A_203 : i32
      %add3A_205 = arith.addi %mul3A_2, %mul3A_204 : i32
      %dma_start3A_206 = arith.constant 0 : i32
      %dma_start3A_207 = tpu.memref_slice %arg4[%add3A_205, %dma_start3A_206] : memref<640000x128xf32, #tpu.memory_space<hbm>> -> memref<128x128xf32, #tpu.memory_space<hbm>>
      %dma_start3A_208 = arith.constant 0 : i32
      %dma_start3A_209 = tpu.memref_slice %arg4[%add3A_205, %dma_start3A_208] : memref<640000x128xf32, #tpu.memory_space<hbm>> -> memref<128x128xf32, #tpu.memory_space<hbm>>
      tpu.enqueue_dma source(%arg11 : memref<128x128xf32, #tpu.memory_space<vmem>>) target(%dma_start3A_209 : memref<128x128xf32, #tpu.memory_space<hbm>>) target_semaphore(%arg23 : memref<!tpu.dma_semaphore, #tpu.memory_space<semaphore_mem>>)
    }
    %scan3A_26 = arith.constant 26 : i32
    %dma_wait3A = arith.constant 0 : i32
    %dma_wait3A_27 = tpu.memref_slice %arg4[%mul3A_2, %dma_wait3A] : memref<640000x128xf32, #tpu.memory_space<hbm>> -> memref<128x128xf32, #tpu.memory_space<hbm>>
    %dma_wait3A_28 = arith.constant 0 : i32
    %dma_wait3A_29 = tpu.memref_slice %arg4[%mul3A_2, %dma_wait3A_28] : memref<640000x128xf32, #tpu.memory_space<hbm>> -> memref<128x128xf32, #tpu.memory_space<hbm>>
    tpu.wait_dma2 semaphore(%arg18 : memref<!tpu.dma_semaphore, #tpu.memory_space<semaphore_mem>>) src(%arg6 : memref<128x128xf32, #tpu.memory_space<vmem>>) dst(%dma_wait3A_29 : memref<128x128xf32, #tpu.memory_space<hbm>>)
    %dma_wait3A_30 = arith.constant 0 : i32
    %dma_wait3A_31 = tpu.memref_slice %arg4[%mul3A_2, %dma_wait3A_30] : memref<640000x128xf32, #tpu.memory_space<hbm>> -> memref<128x128xf32, #tpu.memory_space<hbm>>
    %dma_wait3A_32 = arith.constant 0 : i32
    %dma_wait3A_33 = tpu.memref_slice %arg4[%mul3A_2, %dma_wait3A_32] : memref<640000x128xf32, #tpu.memory_space<hbm>> -> memref<128x128xf32, #tpu.memory_space<hbm>>
    tpu.wait_dma2 semaphore(%arg19 : memref<!tpu.dma_semaphore, #tpu.memory_space<semaphore_mem>>) src(%arg7 : memref<128x128xf32, #tpu.memory_space<vmem>>) dst(%dma_wait3A_33 : memref<128x128xf32, #tpu.memory_space<hbm>>)
    %dma_wait3A_34 = arith.constant 0 : i32
    %dma_wait3A_35 = tpu.memref_slice %arg4[%mul3A_2, %dma_wait3A_34] : memref<640000x128xf32, #tpu.memory_space<hbm>> -> memref<128x128xf32, #tpu.memory_space<hbm>>
    %dma_wait3A_36 = arith.constant 0 : i32
    %dma_wait3A_37 = tpu.memref_slice %arg4[%mul3A_2, %dma_wait3A_36] : memref<640000x128xf32, #tpu.memory_space<hbm>> -> memref<128x128xf32, #tpu.memory_space<hbm>>
    tpu.wait_dma2 semaphore(%arg20 : memref<!tpu.dma_semaphore, #tpu.memory_space<semaphore_mem>>) src(%arg8 : memref<128x128xf32, #tpu.memory_space<vmem>>) dst(%dma_wait3A_37 : memref<128x128xf32, #tpu.memory_space<hbm>>)
    %dma_wait3A_38 = arith.constant 0 : i32
    %dma_wait3A_39 = tpu.memref_slice %arg4[%mul3A_2, %dma_wait3A_38] : memref<640000x128xf32, #tpu.memory_space<hbm>> -> memref<128x128xf32, #tpu.memory_space<hbm>>
    %dma_wait3A_40 = arith.constant 0 : i32
    %dma_wait3A_41 = tpu.memref_slice %arg4[%mul3A_2, %dma_wait3A_40] : memref<640000x128xf32, #tpu.memory_space<hbm>> -> memref<128x128xf32, #tpu.memory_space<hbm>>
    tpu.wait_dma2 semaphore(%arg21 : memref<!tpu.dma_semaphore, #tpu.memory_space<semaphore_mem>>) src(%arg9 : memref<128x128xf32, #tpu.memory_space<vmem>>) dst(%dma_wait3A_41 : memref<128x128xf32, #tpu.memory_space<hbm>>)
    %dma_wait3A_42 = arith.constant 0 : i32
    %dma_wait3A_43 = tpu.memref_slice %arg4[%mul3A_2, %dma_wait3A_42] : memref<640000x128xf32, #tpu.memory_space<hbm>> -> memref<128x128xf32, #tpu.memory_space<hbm>>
    %dma_wait3A_44 = arith.constant 0 : i32
    %dma_wait3A_45 = tpu.memref_slice %arg4[%mul3A_2, %dma_wait3A_44] : memref<640000x128xf32, #tpu.memory_space<hbm>> -> memref<128x128xf32, #tpu.memory_space<hbm>>
    tpu.wait_dma2 semaphore(%arg22 : memref<!tpu.dma_semaphore, #tpu.memory_space<semaphore_mem>>) src(%arg10 : memref<128x128xf32, #tpu.memory_space<vmem>>) dst(%dma_wait3A_45 : memref<128x128xf32, #tpu.memory_space<hbm>>)
    %dma_wait3A_46 = arith.constant 0 : i32
    %dma_wait3A_47 = tpu.memref_slice %arg4[%mul3A_2, %dma_wait3A_46] : memref<640000x128xf32, #tpu.memory_space<hbm>> -> memref<128x128xf32, #tpu.memory_space<hbm>>
    %dma_wait3A_48 = arith.constant 0 : i32
    %dma_wait3A_49 = tpu.memref_slice %arg4[%mul3A_2, %dma_wait3A_48] : memref<640000x128xf32, #tpu.memory_space<hbm>> -> memref<128x128xf32, #tpu.memory_space<hbm>>
    tpu.wait_dma2 semaphore(%arg23 : memref<!tpu.dma_semaphore, #tpu.memory_space<semaphore_mem>>) src(%arg11 : memref<128x128xf32, #tpu.memory_space<vmem>>) dst(%dma_wait3A_49 : memref<128x128xf32, #tpu.memory_space<hbm>>)
    %add3A_50 = arith.constant 19968 : i32
    %add3A_51 = arith.addi %mul3A_2, %add3A_50 : i32
    %dma_start3A_52 = arith.constant 0 : i32
    %dma_start3A_53 = arith.constant 0 : i32
    %dma_start3A_54 = tpu.memref_slice %arg6[%dma_start3A_52, %dma_start3A_53] : memref<128x128xf32, #tpu.memory_space<vmem>> -> memref<32x128xf32, #tpu.memory_space<vmem>>
    %dma_start3A_55 = arith.constant 19968 : i32
    %dma_start3A_56 = tpu.memref_slice %arg5[%dma_start3A_55] : memref<20000xi32, #tpu.memory_space<vmem>> -> memref<32xi32, #tpu.memory_space<vmem>>
    %dma_start3A_57 = arith.constant 0 : i32
    %dma_start3A_58 = arith.constant 0 : i32
    %dma_start3A_59 = tpu.memref_slice %arg2[%dma_start3A_57, %dma_start3A_58] : memref<160000x128xf32, #tpu.memory_space<hbm>> -> memref<160000x128xf32, #tpu.memory_space<hbm>>
    tpu.enqueue_indirect_dma source(%dma_start3A_59 : memref<160000x128xf32, #tpu.memory_space<hbm>>) target(%dma_start3A_54 : memref<32x128xf32, #tpu.memory_space<vmem>>) offsets(%dma_start3A_56 : memref<32xi32, #tpu.memory_space<vmem>>) semaphore(%arg12 : memref<!tpu.dma_semaphore, #tpu.memory_space<semaphore_mem>>)
    %dma_wait3A_60 = arith.constant 0 : i32
    %dma_wait3A_61 = arith.constant 0 : i32
    %dma_wait3A_62 = tpu.memref_slice %arg6[%dma_wait3A_60, %dma_wait3A_61] : memref<128x128xf32, #tpu.memory_space<vmem>> -> memref<32x128xf32, #tpu.memory_space<vmem>>
    %dma_wait3A_63 = arith.constant 19968 : i32
    %dma_wait3A_64 = tpu.memref_slice %arg5[%dma_wait3A_63] : memref<20000xi32, #tpu.memory_space<vmem>> -> memref<32xi32, #tpu.memory_space<vmem>>
    %dma_wait3A_65 = arith.constant 0 : i32
    %dma_wait3A_66 = arith.constant 0 : i32
    %dma_wait3A_67 = tpu.memref_slice %arg2[%dma_wait3A_65, %dma_wait3A_66] : memref<160000x128xf32, #tpu.memory_space<hbm>> -> memref<160000x128xf32, #tpu.memory_space<hbm>>
    tpu.wait_indirect_dma semaphore(%arg12 : memref<!tpu.dma_semaphore, #tpu.memory_space<semaphore_mem>>) src(%dma_wait3A_67 : memref<160000x128xf32, #tpu.memory_space<hbm>>) dst(%dma_wait3A_62 : memref<32x128xf32, #tpu.memory_space<vmem>>)
    "tpu.region"() ({
      %run_scoped3A = tpu.sem_alloc : memref<!tpu.dma_semaphore, #tpu.memory_space<semaphore_mem>>
      %dma_start3A_68 = arith.constant 0 : i32
      %dma_start3A_69 = arith.constant 0 : i32
      %dma_start3A_70 = tpu.memref_slice %arg6[%dma_start3A_68, %dma_start3A_69] : memref<128x128xf32, #tpu.memory_space<vmem>> -> memref<32x128xf32, #tpu.memory_space<vmem>>
      %dma_start3A_71 = arith.constant 0 : i32
      %dma_start3A_72 = tpu.memref_slice %arg4[%add3A_51, %dma_start3A_71] : memref<640000x128xf32, #tpu.memory_space<hbm>> -> memref<32x128xf32, #tpu.memory_space<hbm>>
      %dma_start3A_73 = arith.constant 0 : i32
      %dma_start3A_74 = tpu.memref_slice %arg4[%add3A_51, %dma_start3A_73] : memref<640000x128xf32, #tpu.memory_space<hbm>> -> memref<32x128xf32, #tpu.memory_space<hbm>>
      %dma_start3A_75 = arith.constant 0 : i32
      %dma_start3A_76 = arith.constant 0 : i32
      %dma_start3A_77 = tpu.memref_slice %arg6[%dma_start3A_75, %dma_start3A_76] : memref<128x128xf32, #tpu.memory_space<vmem>> -> memref<32x128xf32, #tpu.memory_space<vmem>>
      tpu.enqueue_dma source(%dma_start3A_77 : memref<32x128xf32, #tpu.memory_space<vmem>>) target(%dma_start3A_74 : memref<32x128xf32, #tpu.memory_space<hbm>>) target_semaphore(%run_scoped3A : memref<!tpu.dma_semaphore, #tpu.memory_space<semaphore_mem>>)
      %dma_wait3A_78 = arith.constant 0 : i32
      %dma_wait3A_79 = arith.constant 0 : i32
      %dma_wait3A_80 = tpu.memref_slice %arg6[%dma_wait3A_78, %dma_wait3A_79] : memref<128x128xf32, #tpu.memory_space<vmem>> -> memref<32x128xf32, #tpu.memory_space<vmem>>
      %dma_wait3A_81 = arith.constant 0 : i32
      %dma_wait3A_82 = tpu.memref_slice %arg4[%add3A_51, %dma_wait3A_81] : memref<640000x128xf32, #tpu.memory_space<hbm>> -> memref<32x128xf32, #tpu.memory_space<hbm>>
      %dma_wait3A_83 = arith.constant 0 : i32
      %dma_wait3A_84 = tpu.memref_slice %arg4[%add3A_51, %dma_wait3A_83] : memref<640000x128xf32, #tpu.memory_space<hbm>> -> memref<32x128xf32, #tpu.memory_space<hbm>>
      %dma_wait3A_85 = arith.constant 0 : i32
      %dma_wait3A_86 = arith.constant 0 : i32
      %dma_wait3A_87 = tpu.memref_slice %arg6[%dma_wait3A_85, %dma_wait3A_86] : memref<128x128xf32, #tpu.memory_space<vmem>> -> memref<32x128xf32, #tpu.memory_space<vmem>>
      tpu.wait_dma2 semaphore(%run_scoped3A : memref<!tpu.dma_semaphore, #tpu.memory_space<semaphore_mem>>) src(%dma_wait3A_87 : memref<32x128xf32, #tpu.memory_space<vmem>>) dst(%dma_wait3A_84 : memref<32x128xf32, #tpu.memory_space<hbm>>)
      tpu.yield
    }) : () -> ()
    return
  }
}

module attributes {stable_mosaic.version = 14 : i64} {
  func.func @body(%arg0: i32, %arg1: i32, %arg2: memref<3200x128xf32, #tpu.memory_space<vmem>>, %arg3: memref<4x3200x128xf32, #tpu.memory_space<vmem>>, %arg4: memref<640x128xbf16, #tpu.memory_space<vmem>>, %arg5: memref<1x128xf32, #tpu.memory_space<vmem>>, %arg6: memref<1x128xf32, #tpu.memory_space<vmem>>, %arg7: memref<128x3200xf32, #tpu.memory_space<vmem>>, %arg8: memref<160000x128xbf16, #tpu.memory_space<vmem>>, %arg9: memref<1x128xf32, #tpu.memory_space<vmem>>, %arg10: memref<1x128xf32, #tpu.memory_space<vmem>>, %arg11: memref<1x128xf32, #tpu.memory_space<vmem>>, %arg12: memref<1x128xf32, #tpu.memory_space<vmem>>) attributes {dimension_semantics = [#tpu.dimension_semantics<arbitrary>, #tpu.dimension_semantics<arbitrary>], iteration_bounds = array<i64: 2, 50>, scalar_prefetch = 0 : i64, scratch_operands = 5 : i64, tpu.core_type = #tpu.core_type<tc>, window_params = [{transform_indices = @transform_0, window_bounds = array<i64: 3200, 128>}, {transform_indices = @transform_1, window_bounds = array<i64: 4, 3200, 128>}, {pipeline_mode = #tpu.pipeline_mode<synchronous>, transform_indices = @transform_2, window_bounds = array<i64: 640, 128>}, {pipeline_mode = #tpu.pipeline_mode<synchronous>, transform_indices = @transform_3, window_bounds = array<i64: 1, 128>}, {pipeline_mode = #tpu.pipeline_mode<synchronous>, transform_indices = @transform_4, window_bounds = array<i64: 1, 128>}, {transform_indices = @transform_5, window_bounds = array<i64: 128, 3200>}]} {
    %eq3A = arith.constant 0 : i32
    %eq3A_0 = arith.cmpi eq, %arg0, %eq3A : i32
    %convert_element_type3A = arith.extui %eq3A_0 : i1 to i32
    %cond3A = arith.constant 0 : i32
    %cond3A_1 = arith.cmpi ne, %convert_element_type3A, %cond3A : i32
    scf.if %cond3A_1 {
      %get3A = arith.constant 0 : index
      %get3A_7 = arith.constant 0 : index
      %get3A_8 = vector.load %arg2[%get3A, %get3A_7] : memref<3200x128xf32, #tpu.memory_space<vmem>>, vector<3200x128xf32>
      %convert_element_type3A_9 = arith.truncf %get3A_8 : vector<3200x128xf32> to vector<3200x128xbf16>
      %get3A_10 = arith.constant 0 : index
      %get3A_11 = arith.constant 0 : index
      %get3A_12 = arith.constant 0 : index
      %get3A_13 = vector.load %arg3[%get3A_10, %get3A_11, %get3A_12] : memref<4x3200x128xf32, #tpu.memory_space<vmem>>, vector<1x3200x128xf32>
      %get3A_14 = vector.shape_cast %get3A_13 : vector<1x3200x128xf32> to vector<3200x128xf32>
      %get3A_15 = arith.constant 1 : index
      %get3A_16 = arith.constant 0 : index
      %get3A_17 = arith.constant 0 : index
      %get3A_18 = vector.load %arg3[%get3A_15, %get3A_16, %get3A_17] : memref<4x3200x128xf32, #tpu.memory_space<vmem>>, vector<1x3200x128xf32>
      %get3A_19 = vector.shape_cast %get3A_18 : vector<1x3200x128xf32> to vector<3200x128xf32>
      %get3A_20 = arith.constant 2 : index
      %get3A_21 = arith.constant 0 : index
      %get3A_22 = arith.constant 0 : index
      %get3A_23 = vector.load %arg3[%get3A_20, %get3A_21, %get3A_22] : memref<4x3200x128xf32, #tpu.memory_space<vmem>>, vector<1x3200x128xf32>
      %get3A_24 = vector.shape_cast %get3A_23 : vector<1x3200x128xf32> to vector<3200x128xf32>
      %get3A_25 = arith.constant 3 : index
      %get3A_26 = arith.constant 0 : index
      %get3A_27 = arith.constant 0 : index
      %get3A_28 = vector.load %arg3[%get3A_25, %get3A_26, %get3A_27] : memref<4x3200x128xf32, #tpu.memory_space<vmem>>, vector<1x3200x128xf32>
      %get3A_29 = vector.shape_cast %get3A_28 : vector<1x3200x128xf32> to vector<3200x128xf32>
      %add3A = arith.addf %get3A_14, %get3A_24 : vector<3200x128xf32>
      %convert_element_type3A_30 = arith.truncf %add3A : vector<3200x128xf32> to vector<3200x128xbf16>
      %add3A_31 = arith.addf %get3A_19, %get3A_29 : vector<3200x128xf32>
      %convert_element_type3A_32 = arith.truncf %add3A_31 : vector<3200x128xf32> to vector<3200x128xbf16>
      %sub3A = arith.subf %get3A_14, %get3A_24 : vector<3200x128xf32>
      %abs3A = math.absf %sub3A : vector<3200x128xf32>
      %convert_element_type3A_33 = arith.truncf %abs3A : vector<3200x128xf32> to vector<3200x128xbf16>
      %sub3A_34 = arith.subf %get3A_19, %get3A_29 : vector<3200x128xf32>
      %abs3A_35 = math.absf %sub3A_34 : vector<3200x128xf32>
      %convert_element_type3A_36 = arith.truncf %abs3A_35 : vector<3200x128xf32> to vector<3200x128xbf16>
      %concatenate3A = tpu.concatenate %convert_element_type3A_9, %convert_element_type3A_30, %convert_element_type3A_32, %convert_element_type3A_33, %convert_element_type3A_36 in 1 : vector<3200x128xbf16>, vector<3200x128xbf16>, vector<3200x128xbf16>, vector<3200x128xbf16>, vector<3200x128xbf16> -> vector<3200x640xbf16>
      %get3A_37 = arith.constant 0 : index
      %get3A_38 = arith.constant 0 : index
      %get3A_39 = vector.load %arg4[%get3A_37, %get3A_38] : memref<640x128xbf16, #tpu.memory_space<vmem>>, vector<640x128xbf16>
      %dot_general3A = arith.constant dense<0.000000e+00> : vector<3200x128xf32>
      %dot_general3A_40 = tpu.matmul %concatenate3A, %get3A_39, %dot_general3A {dimension_numbers = #tpu.dot_dimension_numbers<[1], [0], [0], [1], [0, 0, 1, 1], [], []>, transpose_lhs_hint = false} : vector<3200x640xbf16>, vector<640x128xbf16>, vector<3200x128xf32> -> vector<3200x128xf32>
      %convert_element_type3A_41 = arith.truncf %dot_general3A_40 : vector<3200x128xf32> to vector<3200x128xbf16>
      %mul3A = arith.constant 3200 : i32
      %mul3A_42 = arith.muli %arg1, %mul3A : i32
      %swap3A = arith.index_cast %mul3A_42 : i32 to index
      %swap3A_43 = arith.constant 0 : index
      %swap3A_44 = vector.load %arg8[%swap3A, %swap3A_43] : memref<160000x128xbf16, #tpu.memory_space<vmem>>, vector<3200x128xbf16>
      tpu.vector_store %arg8[%swap3A, %swap3A_43], %convert_element_type3A_41 {strides = array<i32>} : memref<160000x128xbf16, #tpu.memory_space<vmem>>, vector<3200x128xbf16>,
      %eq3A_45 = arith.constant 0 : i32
      %eq3A_46 = arith.cmpi eq, %arg1, %eq3A_45 : i32
      %convert_element_type3A_47 = arith.extui %eq3A_46 : i1 to i32
      %cond3A_48 = arith.constant 0 : i32
      %cond3A_49 = arith.cmpi ne, %convert_element_type3A_47, %cond3A_48 : i32
      scf.if %cond3A_49 {
        %broadcast_in_dim3A_69 = arith.constant 0.000000e+00 : f32
        %broadcast_in_dim3A_70 = vector.broadcast %broadcast_in_dim3A_69 : f32 to vector<1x128xf32>
        %swap3A_71 = arith.constant 0 : index
        %swap3A_72 = arith.constant 0 : index
        %swap3A_73 = vector.load %arg9[%swap3A_71, %swap3A_72] : memref<1x128xf32, #tpu.memory_space<vmem>>, vector<1x128xf32>
        tpu.vector_store %arg9[%swap3A_71, %swap3A_72], %broadcast_in_dim3A_70 {strides = array<i32>} : memref<1x128xf32, #tpu.memory_space<vmem>>, vector<1x128xf32>,
        %broadcast_in_dim3A_74 = arith.constant 0.000000e+00 : f32
        %broadcast_in_dim3A_75 = vector.broadcast %broadcast_in_dim3A_74 : f32 to vector<1x128xf32>
        %swap3A_76 = arith.constant 0 : index
        %swap3A_77 = arith.constant 0 : index
        %swap3A_78 = vector.load %arg10[%swap3A_76, %swap3A_77] : memref<1x128xf32, #tpu.memory_space<vmem>>, vector<1x128xf32>
        tpu.vector_store %arg10[%swap3A_76, %swap3A_77], %broadcast_in_dim3A_75 {strides = array<i32>} : memref<1x128xf32, #tpu.memory_space<vmem>>, vector<1x128xf32>,
      } else {
      }
      %get3A_50 = arith.constant 0 : index
      %get3A_51 = arith.constant 0 : index
      %get3A_52 = vector.load %arg9[%get3A_50, %get3A_51] : memref<1x128xf32, #tpu.memory_space<vmem>>, vector<1x128xf32>
      %reduce_sum3A = arith.constant dense<0.000000e+00> : vector<128xf32>
      %reduce_sum3A_53 = vector.multi_reduction <add>, %dot_general3A_40, %reduce_sum3A [0] : vector<3200x128xf32> to vector<128xf32>
      %broadcast_in_dim3A = vector.shape_cast %reduce_sum3A_53 : vector<128xf32> to vector<1x128xf32>
      %add3A_54 = arith.addf %get3A_52, %broadcast_in_dim3A : vector<1x128xf32>
      %swap3A_55 = arith.constant 0 : index
      %swap3A_56 = arith.constant 0 : index
      %swap3A_57 = vector.load %arg9[%swap3A_55, %swap3A_56] : memref<1x128xf32, #tpu.memory_space<vmem>>, vector<1x128xf32>
      tpu.vector_store %arg9[%swap3A_55, %swap3A_56], %add3A_54 {strides = array<i32>} : memref<1x128xf32, #tpu.memory_space<vmem>>, vector<1x128xf32>,
      %get3A_58 = arith.constant 0 : index
      %get3A_59 = arith.constant 0 : index
      %get3A_60 = vector.load %arg10[%get3A_58, %get3A_59] : memref<1x128xf32, #tpu.memory_space<vmem>>, vector<1x128xf32>
      %mul3A_61 = arith.mulf %dot_general3A_40, %dot_general3A_40 : vector<3200x128xf32>
      %reduce_sum3A_62 = arith.constant dense<0.000000e+00> : vector<128xf32>
      %reduce_sum3A_63 = vector.multi_reduction <add>, %mul3A_61, %reduce_sum3A_62 [0] : vector<3200x128xf32> to vector<128xf32>
      %broadcast_in_dim3A_64 = vector.shape_cast %reduce_sum3A_63 : vector<128xf32> to vector<1x128xf32>
      %add3A_65 = arith.addf %get3A_60, %broadcast_in_dim3A_64 : vector<1x128xf32>
      %swap3A_66 = arith.constant 0 : index
      %swap3A_67 = arith.constant 0 : index
      %swap3A_68 = vector.load %arg10[%swap3A_66, %swap3A_67] : memref<1x128xf32, #tpu.memory_space<vmem>>, vector<1x128xf32>
      tpu.vector_store %arg10[%swap3A_66, %swap3A_67], %add3A_65 {strides = array<i32>} : memref<1x128xf32, #tpu.memory_space<vmem>>, vector<1x128xf32>,
    } else {
    }
    %eq3A_2 = arith.constant 1 : i32
    %eq3A_3 = arith.cmpi eq, %arg0, %eq3A_2 : i32
    %convert_element_type3A_4 = arith.extui %eq3A_3 : i1 to i32
    %cond3A_5 = arith.constant 0 : i32
    %cond3A_6 = arith.cmpi ne, %convert_element_type3A_4, %cond3A_5 : i32
    scf.if %cond3A_6 {
      %eq3A_7 = arith.constant 0 : i32
      %eq3A_8 = arith.cmpi eq, %arg1, %eq3A_7 : i32
      %convert_element_type3A_9 = arith.extui %eq3A_8 : i1 to i32
      %cond3A_10 = arith.constant 0 : i32
      %cond3A_11 = arith.cmpi ne, %convert_element_type3A_9, %cond3A_10 : i32
      scf.if %cond3A_11 {
        %get3A_29 = arith.constant 0 : index
        %get3A_30 = arith.constant 0 : index
        %get3A_31 = vector.load %arg9[%get3A_29, %get3A_30] : memref<1x128xf32, #tpu.memory_space<vmem>>, vector<1x128xf32>
        %mul3A_32 = arith.constant 6.250000e-06 : f32
        %mul3A_33 = vector.broadcast %mul3A_32 : f32 to vector<1x128xf32>
        %mul3A_34 = arith.mulf %get3A_31, %mul3A_33 : vector<1x128xf32>
        %get3A_35 = arith.constant 0 : index
        %get3A_36 = arith.constant 0 : index
        %get3A_37 = vector.load %arg10[%get3A_35, %get3A_36] : memref<1x128xf32, #tpu.memory_space<vmem>>, vector<1x128xf32>
        %mul3A_38 = arith.constant 6.250000e-06 : f32
        %mul3A_39 = vector.broadcast %mul3A_38 : f32 to vector<1x128xf32>
        %mul3A_40 = arith.mulf %get3A_37, %mul3A_39 : vector<1x128xf32>
        %mul3A_41 = arith.mulf %mul3A_34, %mul3A_34 : vector<1x128xf32>
        %sub3A = arith.subf %mul3A_40, %mul3A_41 : vector<1x128xf32>
        %get3A_42 = arith.constant 0 : index
        %get3A_43 = arith.constant 0 : index
        %get3A_44 = vector.load %arg5[%get3A_42, %get3A_43] : memref<1x128xf32, #tpu.memory_space<vmem>>, vector<1x128xf32>
        %add3A_45 = arith.constant 9.99999974E-6 : f32
        %add3A_46 = vector.broadcast %add3A_45 : f32 to vector<1x128xf32>
        %add3A_47 = arith.addf %sub3A, %add3A_46 : vector<1x128xf32>
        %rsqrt3A = math.rsqrt %add3A_47 : vector<1x128xf32>
        %mul3A_48 = arith.mulf %get3A_44, %rsqrt3A : vector<1x128xf32>
        %swap3A_49 = arith.constant 0 : index
        %swap3A_50 = arith.constant 0 : index
        %swap3A_51 = vector.load %arg11[%swap3A_49, %swap3A_50] : memref<1x128xf32, #tpu.memory_space<vmem>>, vector<1x128xf32>
        tpu.vector_store %arg11[%swap3A_49, %swap3A_50], %mul3A_48 {strides = array<i32>} : memref<1x128xf32, #tpu.memory_space<vmem>>, vector<1x128xf32>,
        %get3A_52 = arith.constant 0 : index
        %get3A_53 = arith.constant 0 : index
        %get3A_54 = vector.load %arg6[%get3A_52, %get3A_53] : memref<1x128xf32, #tpu.memory_space<vmem>>, vector<1x128xf32>
        %mul3A_55 = arith.mulf %mul3A_34, %mul3A_48 : vector<1x128xf32>
        %sub3A_56 = arith.subf %get3A_54, %mul3A_55 : vector<1x128xf32>
        %swap3A_57 = arith.constant 0 : index
        %swap3A_58 = arith.constant 0 : index
        %swap3A_59 = vector.load %arg12[%swap3A_57, %swap3A_58] : memref<1x128xf32, #tpu.memory_space<vmem>>, vector<1x128xf32>
        tpu.vector_store %arg12[%swap3A_57, %swap3A_58], %sub3A_56 {strides = array<i32>} : memref<1x128xf32, #tpu.memory_space<vmem>>, vector<1x128xf32>,
      } else {
      }
      %mul3A = arith.constant 3200 : i32
      %mul3A_12 = arith.muli %arg1, %mul3A : i32
      %get3A = arith.index_cast %mul3A_12 : i32 to index
      %get3A_13 = arith.constant 0 : index
      %get3A_14 = vector.load %arg8[%get3A, %get3A_13] : memref<160000x128xbf16, #tpu.memory_space<vmem>>, vector<3200x128xbf16>
      %convert_element_type3A_15 = arith.extf %get3A_14 : vector<3200x128xbf16> to vector<3200x128xf32>
      %get3A_16 = arith.constant 0 : index
      %get3A_17 = arith.constant 0 : index
      %get3A_18 = vector.load %arg11[%get3A_16, %get3A_17] : memref<1x128xf32, #tpu.memory_space<vmem>>, vector<1x128xf32>
      %mul3A_19 = vector.broadcast %get3A_18 : vector<1x128xf32> to vector<3200x128xf32>
      %mul3A_20 = arith.mulf %convert_element_type3A_15, %mul3A_19 : vector<3200x128xf32>
      %get3A_21 = arith.constant 0 : index
      %get3A_22 = arith.constant 0 : index
      %get3A_23 = vector.load %arg12[%get3A_21, %get3A_22] : memref<1x128xf32, #tpu.memory_space<vmem>>, vector<1x128xf32>
      %add3A = vector.broadcast %get3A_23 : vector<1x128xf32> to vector<3200x128xf32>
      %add3A_24 = arith.addf %mul3A_20, %add3A : vector<3200x128xf32>
      %max3A = arith.constant 0.000000e+00 : f32
      %max3A_25 = vector.broadcast %max3A : f32 to vector<3200x128xf32>
      %max3A_26 = arith.maximumf %add3A_24, %max3A_25 : vector<3200x128xf32>
      %transpose3A = tpu.transpose %max3A_26, [1, 0] : vector<3200x128xf32> -> vector<128x3200xf32>
      %swap3A = arith.constant 0 : index
      %swap3A_27 = arith.constant 0 : index
      %swap3A_28 = vector.load %arg7[%swap3A, %swap3A_27] : memref<128x3200xf32, #tpu.memory_space<vmem>>, vector<128x3200xf32>
      tpu.vector_store %arg7[%swap3A, %swap3A_27], %transpose3A {strides = array<i32>} : memref<128x3200xf32, #tpu.memory_space<vmem>>, vector<128x3200xf32>,
    } else {
    }
    return
  }
  func.func @transform_0(%arg0: i32, %arg1: i32) -> (i32, i32) {
    %sub3A = arith.constant 1 : i32
    %sub3A_0 = arith.subi %sub3A, %arg0 : i32
    %mul3A = arith.muli %arg1, %sub3A_0 : i32
    %c0_i32 = arith.constant 0 : i32
    %c0_i32_1 = arith.constant 0 : i32
    return %mul3A, %c0_i32 : i32, i32
  }
  func.func @transform_1(%arg0: i32, %arg1: i32) -> (i32, i32, i32) {
    %sub3A = arith.constant 1 : i32
    %sub3A_0 = arith.subi %sub3A, %arg0 : i32
    %mul3A = arith.muli %arg1, %sub3A_0 : i32
    %c0_i32 = arith.constant 0 : i32
    %c0_i32_1 = arith.constant 0 : i32
    %c0_i32_2 = arith.constant 0 : i32
    return %c0_i32, %mul3A, %c0_i32_1 : i32, i32, i32
  }
  func.func @transform_2(%arg0: i32, %arg1: i32) -> (i32, i32) {
    %c0_i32 = arith.constant 0 : i32
    %c0_i32_0 = arith.constant 0 : i32
    %c0_i32_1 = arith.constant 0 : i32
    return %c0_i32, %c0_i32_0 : i32, i32
  }
  func.func @transform_3(%arg0: i32, %arg1: i32) -> (i32, i32) {
    %c0_i32 = arith.constant 0 : i32
    %c0_i32_0 = arith.constant 0 : i32
    %c0_i32_1 = arith.constant 0 : i32
    return %c0_i32, %c0_i32_0 : i32, i32
  }
  func.func @transform_4(%arg0: i32, %arg1: i32) -> (i32, i32) {
    %c0_i32 = arith.constant 0 : i32
    %c0_i32_0 = arith.constant 0 : i32
    %c0_i32_1 = arith.constant 0 : i32
    return %c0_i32, %c0_i32_0 : i32, i32
  }
  func.func @transform_5(%arg0: i32, %arg1: i32) -> (i32, i32) {
    %mul3A = arith.muli %arg1, %arg0 : i32
    %c0_i32 = arith.constant 0 : i32
    %c0_i32_0 = arith.constant 0 : i32
    return %c0_i32, %mul3A : i32, i32
  }
}

</mosaic_0001>

<sc_bundles>
// kernel: kernel.4.cloned.1.call-start
scs
__scs_entry_jumppad:
0x0: {  	(pc) =	sbr.rel $0x88, $3  }
0x1: {  	(tag) =	ssettag $0x0;
	lr =	simm.s32 $0x1  }
0x2: {  	[smem:$0x3F9C] =	sst lr;
	_ =	strace $0xD0000000  }
0x3: {  	_ = 	snop  }
0x4: {  	_ = 	snop  }
0x5: {  	_ = 	snop  }
0x6: {  	_ = 	snop  }
0x7: {  	_ = 	snop  }
__scs_overlays_trampoline_lowered:
0x8: {  	[smem:$0x3FAB] =	sst s0  }
0x9: {  	[smem:$0x3FAC] =	sst s1  }
0xa: {  	[smem:$0x3FAD] =	sst s2  }
0xb: {  	[smem:$0x3FAE] =	sst s3  }
0xc: {  	[smem:$0x3FAF] =	sst s4  }
0xd: {  	[smem:$0x3FB0] =	sst s5  }
0xe: {  	[smem:$0x3FB1] =	sst s6  }
0xf: {  	[smem:$0x3FB2] =	sst s7  }
0x10: {  	[smem:$0x3FB3] =	sst s8  }
0x11: {  	[smem:$0x3FB4] =	sst s9;
	s0 =	simm.s32 @!p0 $0x0  }
0x12: {  	s1 =	sld [smem:$0x3F9A];
	s0 =	simm.s32 @p0 $0x1  }
0x13: {  	[smem:$0x3FB5] =	sst s0;
	s0 =	simm.s32 @!p1 $0x0  }
0x14: {  	s2 =	sld [smem:$0x3F99];
	s0 =	simm.s32 @p1 $0x1  }
0x15: {  	[smem:$0x3FB6] =	sst s0;
	s0 =	simm.s32 @!p2 $0x0  }
0x16: {  	s3 =	sld [smem:$0x3FDB];
	s0 =	simm.s32 @p2 $0x1  }
0x17: {  	s4 =	simm.s32 $0x1BF5;
	[smem:$0x3FB8] =	sst s0  }
0x18: {  	s0 =	sld [smem:$0x3F9B];
	_ =	swait.ge [sflag:s4], $0x0  }
0x19: {  	s7 =	sld [smem:$0x3F9C]  }
0x1a: {  	s8 =	sadd.s32 $0xFFFFE003, lr  }
0x1b: {  	s9 =	sadd.s32 $0xFFFFFEF7, lr;
	s5 =	simm.s32 $0xFFFFFFFF;
	p2 =	slt.u32 s8, $0xFFFFF086  }
0x1c: {  	p1 =	slt.u32 s9, $0xF7A;
	s5 =	simm.s32 @!p2 $0x0  }
0x1d: {  	s5 =	simm.s32 @p1 $0x1;
	p0 =	seq.s32 s7, s2  }
0x1e: {  	s7 =	smul.u32 @!p0 $0xF7A, s2;
	p2 =	seq.s32 @!p0 s5, $0x0  }
0x1f: {  	s9 =	smul.u32 $0xF7A, s1;
	s8 =	simm.s32 @!p0 $0x1BF5;
	p2 =	por !p2, p0  }
0x20: {  	[sflag:s8] =	ssyncset.s32 @!p0 $0xFFFFF086;
	s6 =	sadd.s32 @!p0 s3, s7;
	s7 =	simm.s32 @!p0 $0x108  }
0x21: {  	s3 =	sadd.s32 s3, s9;
	s6 =	sadd.s32 @!p0 $0x88, s6;
	s7 =	simm.s32 @p2 $0x1082  }
0x22: {  	[simem:s7], [sflag:s8] =	dma.local @!p0 [hbm:s6], $0xF7A  }
0x23: {  	s9 =	sor.u32 $0xD0000000, s2;
	s6 =	simm.s32 $0x108;
	_ =	swait.ge @!p0 [sflag:s8], $0x0  }
0x24: {  	s3 =	sadd.s32 $0x88, s3;
	s6 =	simm.s32 @!p1 $0x1082;
	[sflag:s4] =	ssyncset.s32 $0xFFFFF086  }
0x25: {  	[simem:s6], [sflag:s4] =	dma.local [hbm:s3], $0xF7A  }
0x26: {  	[smem:$0x3F9C] =	sst s1;
	(tag) =	ssettag s2;
	_ =	strace s9  }
0x27: {  	s1 =	sld [smem:$0x3FAC]  }
0x28: {  	s2 =	sld [smem:$0x3FAD]  }
0x29: {  	s4 =	sld [smem:$0x3FAF]  }
0x2a: {  	p0 =	seq.s32 s5, $0x0;
	s5 =	sld [smem:$0x3FB0]  }
0x2b: {  	s6 =	sld [smem:$0x3FB1]  }
0x2c: {  	s7 =	sld [smem:$0x3FB2]  }
0x2d: {  	s3 =	simm.s32 $0x108;
	s8 =	sld [smem:$0x3FB3]  }
0x2e: {  	s3 =	simm.s32 @!p0 $0x1082;
	s9 =	sld [smem:$0x3FB4]  }
0x2f: {  	lr =	sadd.s32 s0, s3;
	s0 =	sld [smem:$0x3FAB]  }
0x30: {  	s3 =	sld [smem:$0x3FAE]  }
0x31: {  	[smem:$0x3FB7] =	sst s10  }
0x32: {  	s10 =	sld [smem:$0x3FB5];
	_ =	sdelay $0x3  }
0x33: {  	p0 =	seq.s32 s10, $0x1;
	s10 =	sld [smem:$0x3FB7];
	_ =	sdelay $0x3  }
0x34: {  	[smem:$0x3FB7] =	sst s10  }
0x35: {  	s10 =	sld [smem:$0x3FB6];
	_ =	sdelay $0x3  }
0x36: {  	p1 =	seq.s32 s10, $0x1;
	s10 =	sld [smem:$0x3FB7];
	_ =	sdelay $0x3  }
0x37: {  	[smem:$0x3FB7] =	sst s10  }
0x38: {  	s10 =	sld [smem:$0x3FB8]  }
0x39: {  	_ = 	snop;
	(pc) =	sbr.ind lr, $3  }
0x3a: {  	_ = 	snop  }
0x3b: {  	_ = 	snop  }
0x3c: {  	p2 =	seq.s32 s10, $0x1;
	s10 =	sld [smem:$0x3FB7]  }
0x3d: {  	_ =	shalt  }
0x3e: {  	_ =	shalt  }
0x3f: {  	_ =	shalt  }
0x40: {  	_ =	shalt  }
0x41: {  	_ =	shalt  }
0x42: {  	_ =	shalt  }
0x43: {  	_ =	shalt  }
0x44: {  	_ =	shalt  }
0x45: {  	_ =	shalt  }
0x46: {  	_ =	shalt  }
0x47: {  	_ =	shalt  }
0x48: {  	_ =	shalt  }
0x49: {  	_ =	shalt  }
0x4a: {  	_ =	shalt  }
0x4b: {  	_ =	shalt  }
0x4c: {  	_ =	shalt  }
0x4d: {  	_ =	shalt  }
0x4e: {  	_ =	shalt  }
0x4f: {  	_ =	shalt  }
0x50: {  	_ =	shalt  }
0x51: {  	_ =	shalt  }
0x52: {  	_ =	shalt  }
0x53: {  	_ =	shalt  }
0x54: {  	_ =	shalt  }
0x55: {  	_ =	shalt  }
0x56: {  	_ =	shalt  }
0x57: {  	_ =	shalt  }
0x58: {  	_ =	shalt  }
0x59: {  	_ =	shalt  }
0x5a: {  	_ =	shalt  }
0x5b: {  	_ =	shalt  }
0x5c: {  	_ =	shalt  }
0x5d: {  	_ =	shalt  }
0x5e: {  	_ =	shalt  }
0x5f: {  	_ =	shalt  }
0x60: {  	_ =	shalt  }
0x61: {  	_ =	shalt  }
0x62: {  	_ =	shalt  }
0x63: {  	_ =	shalt  }
0x64: {  	_ =	shalt  }
0x65: {  	_ =	shalt  }
0x66: {  	_ =	shalt  }
0x67: {  	_ =	shalt  }
0x68: {  	_ =	shalt  }
0x69: {  	_ =	shalt  }
0x6a: {  	_ =	shalt  }
0x6b: {  	_ =	shalt  }
0x6c: {  	_ =	shalt  }
0x6d: {  	_ =	shalt  }
0x6e: {  	_ =	shalt  }
0x6f: {  	_ =	shalt  }
0x70: {  	_ =	shalt  }
0x71: {  	_ =	shalt  }
0x72: {  	_ =	shalt  }
0x73: {  	_ =	shalt  }
0x74: {  	_ =	shalt  }
0x75: {  	_ =	shalt  }
0x76: {  	_ =	shalt  }
0x77: {  	_ =	shalt  }
0x78: {  	_ =	shalt  }
0x79: {  	_ =	shalt  }
0x7a: {  	_ =	shalt  }
0x7b: {  	_ =	shalt  }
0x7c: {  	_ =	shalt  }
0x7d: {  	_ =	shalt  }
0x7e: {  	_ =	shalt  }
0x7f: {  	_ =	shalt  }
0x80: {  	_ =	shalt  }
0x81: {  	_ =	shalt  }
0x82: {  	_ =	shalt  }
0x83: {  	_ =	shalt  }
0x84: {  	_ =	shalt  }
0x85: {  	_ =	shalt  }
0x86: {  	_ =	shalt  }
0x87: {  	_ =	shalt  }
.Lfunc_end0:
.L_simem_size_0:
called_computation_lowered:
.L_overlay_start_0:
0x88: {  	s2 =	sld [smem:$0x3FD9]  }
0x89: {  	s3 =	sld [smem:$0x3FFE];
	_ =	sdelay $0x1  }
0x8a: {  	s1 =	srdreg.scid  }
0x8b: {  	s0 =	sand.u32 $0x1, s1  }
0x8c: {  	s14 =	sshll.u32 s0, $0xA;
	s2 =	sadd.s32 s3, s2  }
0x8d: {  	s2 =	sadd.s32 s2, s14  }
0x8e: {  	[smem:$0x3FC3] =	sst s2  }
0x8f: {  	_ = 	snop  }
0x90: {  	s2 =	sld [smem:$0x3FD0];
	_ =	sdelay $0x2  }
0x91: {  	s15 =	simm.s32 $0xA;
	s4 =	simm.s32 $0x10  }
0x92: {  	[smem:s4], [sflag:s15] =	dma.local [hbm:s2], $0x1  }
0x93: {  	_ =	swait.eq [sflag:s15], $0x1  }
0x94: {  	[sflag:s15] =	ssyncset.done $0x0  }
0x95: {  	[sflag:s15] =	ssyncadd.s32 $0xFFFFFFFF  }
0x96: {  	s16 =	sld [smem:$0x11];
	(tm) =	ssettm $0x1  }
0x97: {  	s17 =	sld [smem:$0x3FFB];
	_ =	sdelay $0x3  }
0x98: {  	_ =	strace s17  }
0x99: {  	s3 =	sld [smem:$0x3FFC];
	_ =	sdelay $0x3  }
0x9a: {  	_ =	strace s3  }
0x9b: {  	s3 =	sld [smem:$0x3FFD];
	_ =	sdelay $0x3  }
0x9c: {  	_ =	strace s3  }
0x9d: {  	_ =	strace $0x8FFFFFFF  }
0x9e: {  	s18 =	sld [smem:$0x3FDB];
	_ =	sdelay $0x1  }
0x9f: {  	s19 =	simm.s32 $_scs_section_size  }
0xa0: {  	s5 =	simm.s32 $_size__tile_overlayer_lowered;
	s6 =	simm.s32 $_tile_overlayer_lowered  }
0xa1: {  	s22 =	simm.s32 $0x1BFF;
	s21 =	sshll.u32 s6, $0x1;
	s3 =	sadd.s32 s19, s18  }
0xa2: {  	s7 =	simm.s32 $0x0;
	s20 =	sshll.u32 s5, $0x1;
	s5 =	sadd.s32 s21, s3  }
0xa3: {  	[timem:s7], [sflag:s22] =	dma.local [hbm:s5], s20  }
0xa4: {  	_ =	swait.ge [sflag:s22], s20  }
0xa5: {  	s4 =	ssub.s32 $0x0, s20;
	[sflag:s22] =	ssyncset.done $0x0  }
0xa6: {  	[sflag:s22] =	ssyncadd.s32 s4;
	_ =	sdelay $0x1  }
0xa7: {  	s23 =	simm.s32 $0x1B8B  }
0xa8: {  	_ =	swait.ge [sflag:s23], $0x1  }
0xa9: {  	[sflag:s23] =	ssyncset.done $0x0  }
0xaa: {  	s25 =	simm.s32 $0x1B8E;
	s24 =	sld [smem:$0x3FFE];
	[sflag:s23] =	ssyncadd.s32 $0xFFFFFFFF  }
0xab: {  	s26 =	simm.s32 $execute0_lowered;
	[smem:$0x3FD2] =	sst s25  }
0xac: {  	s5 =	sshll.u32 s26, $0x1;
	_ =	strace $0x80000046;
	[dreg:$0x1] =	wrdreg $0xFFFFFFFF  }
0xad: {  	s28 =	simm.s32 $_size_execute0_lowered;
	s3 =	sadd.s32 s3, s5;
	[dreg:$0x0] =	wrdreg $0x0  }
0xae: {  	s5 =	sshll.u32 s28, $0x1;
	[dreg:$0x2] =	wrdreg s3  }
0xaf: {  	[dreg:$0x3] =	wrdreg s5  }
0xb0: {  	[dreg:$0x4] =	wrdreg $0xC0  }
0xb1: {  	_ =	task [dreg:s7], $0x5FFFF  }
0xb2: {  	[dreg:$0x1] =	wrdreg $0xFFFFFFFF  }
0xb3: {  	[dreg:$0x0] =	wrdreg $0x60  }
0xb4: {  	[dreg:$0x2] =	wrdreg s24  }
0xb5: {  	[dreg:$0x3] =	wrdreg s16  }
0xb6: {  	[dreg:$0x4] =	wrdreg $0x9  }
0xb7: {  	_ =	task.clear_ibuf [dreg:s7], $0x5FFFF;
	_ =	strace $0x90000046  }
0xb8: {  	s29 =	simm.s32 $0x9;
	_ =	strace $0x80000048  }
0xb9: {  	_ =	swait.ge [sflag:s29], $0x1  }
0xba: {  	[sflag:s29] =	ssyncadd.s32 $0xFFFFFFFF  }
0xbb: {  	_ =	strace $0x90000048  }
0xbc: {  	_ =	sfence  }
0xbd: {  	s30 =	sld [smem:$0x0];
	_ =	sdelay $0x2  }
0xbe: {  	s31 =	sshll.u32 s1, $0xD;
	s1 =	sshrl.u32 s1, $0x2  }
0xbf: {  	s3 =	sand.u32 $0x4000, s31;
	s1 =	sadd.s32 s1, s30  }
0xc0: {  	s0 =	sor.u32 s3, s0;
	s1 =	sshll.u32 s1, $0x11  }
0xc1: {  	s0 =	sor.u32 s1, s0  }
0xc2: {  	s0 =	sadd.s32 $0x8F2B, s0  }
0xc3: {  	[sflag:s0] =	ssyncadd.remote.s32 $0x1  }
0xc4: {  	_ =	sfence.sel $0xFFFF  }
0xc5: {  	[dreg:$0x0] =	wrdreg $0xFFFFFFFF;
	(pc) =	sbr.abs _section_cstart, $3  }
0xc6: {  	[dreg:$0x1] =	wrdreg $0xFFFFFFFF  }
0xc7: {  	_ =	task.clear_ibuf [dreg:s7], $0x2FFFF;
	_ =	strace $0x9FFFFFFF  }
0xc8: {  	(tm) =	ssettm $0x7FFFFFFF  }
0xc9: {  	_ =	shalt  }
tec
execute0_lowered:
.L_overlay_start_1:
0x0: {  	(tag) =	ssettag $0x1  }
0x1: {  	s0 =	rddreg [dreg:$0x0];
	s1 =	srdreg.scid  }
0x2: {  	s10 =	stileid.u32;
	s4 =	rddreg [dreg:$0x1]  }
0x3: {  	s2 =	simm.s32 $0x0;
	s11 =	simm.s32 $0x4E80;
	s12 =	simm.s32 $0x8E80  }
0x4: {  	s16 =	simm.s32 $0x10E80;
	s17 =	simm.s32 $0x14E80;
	s18 =	simm.s32 $0x1  }
0x5: {  	s19 =	simm.s32 $0x18E80;
	s20 =	simm.s32 $0x2;
	s9 =	smul.u32 $0x4E2000, s10  }
0x6: {  	s21 =	simm.s32 $0x4;
	s1 =	sand.u32 $0x1, s1;
	s28 =	smul.u32 $0x9C400, s10  }
0x7: {  	s22 =	simm.s32 $0x5;
	s3 =	sshll.u32 s10, $0x1;
	s24 =	smul.u32 $0x271000, s1  }
0x8: {  	s5 =	sor.u32 s1, s3;
	s8 =	ssub.s32 $0x2, s1;
	s1 =	smul.u32 $0x4E200, s1  }
0x9: {  	[smem:$0x7FF] =	sst s2;
	s31 =	sadd.s32 $0x271800, s0;
	s6 =	smul.u32 $0x4E20, s5  }
0xa: {  	s10 =	simm.s32 $0x80;
	_ =	strace $0x80000047;
	s7 =	smul.u32 $0x271000, s5  }
0xb: {  	s3 =	sadd.s32 $0x800, s0;
	s5 =	smul.u32 $0x4E200, s5;
	s23 =	sshrl.u32 s8, $0x1  }
0xc: {  	s0 =	ssub.s32 s8, s23;
	s26 =	sadd.s32 s24, s9;
	s8 =	sadd.s32 s1, s28  }
0xd: {  	s6 =	sshrl.u32 s6, $0x3;
	s25 =	sshrl.u32 s7, $0x3;
	s0 =	smax.u32 s0, $0x1  }
0xe: {  	s5 =	sadd.s32 s31, s5;
	s4 =	sadd.s32 s4, s6;
	[dreg:$0x8] =	wrdreg s0  }
0xf: {  	s29 =	sadd.s32 $0x14000, s26;
	s5 =	sadd.s32 $0x4C000, s5;
	[dreg:$0x6] =	wrdreg s4  }
0x10: {  	s7 =	sshrl.u32 s29, $0x3;
	s6 =	sadd.s32 $0x10000, s26;
	[dreg:$0x3] =	wrdreg s5  }
0x11: {  	s4 =	sadd.s32 s31, s25;
	[dreg:$0x4] =	wrdreg s7;
	s30 =	sshrl.u32 s6, $0x3  }
0x12: {  	s23 =	simm.s32 $0x6;
	s4 =	sadd.s32 $0x4E000, s4;
	[dreg:$0x5] =	wrdreg s30  }
0x13: {  	s0 =	simm.s32 $0x0;
	[dreg:$0x7] =	wrdreg s4;
	s4 =	simm.s32 $0xD  }
.LBB2_1:
0x14: {  	s1 =	rddreg [dreg:$0x6]  }
0x15: {  	[tilespmem:s2], [sflag:$0xD] =	stream.linear.gather [hbm4b:s1+s2], $0x4E20, $0x38;
	[tilespmem:$0x1CE80] =	vst v63  }
0x16: {  	_ =	swait.ge [sflag:s4], $0x4E20  }
0x17: {  	[sflag:s4] =	ssyncset.done $0x0  }
0x18: {  	[sflag:s4] =	ssyncadd.s32 $0xFFFFB1E0  }
0x19: {  	[tilespmem:s11], [sflag:$0x1] =	stream.indirect.gather [hbm4b:s3+s10], $0x80, s2, s10, $0xb8;
	[tilespmem:$0x1CE80] =	vst v63  }
0x1a: {  	p0 =	por $0x1, $0x1  }
0x1b: {  	[tilespmem:s12], [sflag:$0x2] =	stream.indirect.gather [hbm4b:s3+s10], $0x80, s10, s10, $0xb8;
	[tilespmem:$0x1CE80] =	vst v63  }
0x1c: {  	s14 =	simm.s32 $0x100;
	s15 =	simm.s32 $0xCE80;
	p0 =	por p0, p0  }
0x1d: {  	[tilespmem:s15], [sflag:$0x3] =	stream.indirect.gather [hbm4b:s3+s10], $0x80, s14, s10, $0xb8;
	[tilespmem:$0x1CE80] =	vst v63  }
0x1e: {  	s24 =	simm.s32 $0x180;
	s1 =	simm.s32 @!p0 $0xB  }
0x1f: {  	[tilespmem:s16], [sflag:$0x4] =	stream.indirect.gather [hbm4b:s3+s10], $0x80, s24, s10, $0xb8;
	[tilespmem:$0x1CE80] =	vst v63  }
0x20: {  	_ =	swait.ge @!p0 [sflag:s1], $0x4000  }
0x21: {  	[sflag:s1] =	ssyncset.done @!p0 $0x0  }
0x22: {  	s25 =	simm.s32 $0x200;
	[sflag:s1] =	ssyncadd.s32 @!p0 $0xFFFFC000  }
0x23: {  	[tilespmem:s17], [sflag:$0x5] =	stream.indirect.gather [hbm4b:s3+s10], $0x80, s25, s10, $0xb8;
	[tilespmem:$0x1CE80] =	vst v63  }
0x24: {  	_ =	swait.ge [sflag:s18], $0x4000  }
0x25: {  	[sflag:s18] =	ssyncset.done $0x0  }
0x26: {  	s26 =	sadd.s32 s31, s8;
	s4 =	simm.s32 @!p0 $0xC;
	[sflag:s18] =	ssyncadd.s32 $0xFFFFC000  }
0x27: {  	[hbm4b:s26+s2] =	stream.linear.scatter [tilespmem:s11], [sflag:$0x7], $0x4000, $0x38;
	[tilespmem:$0x1CE80] =	vst v63  }
0x28: {  	_ =	swait.ge @!p0 [sflag:s4], $0x4000  }
0x29: {  	[sflag:s4] =	ssyncset.done @!p0 $0x0  }
0x2a: {  	s28 =	simm.s32 $0x280;
	[sflag:s4] =	ssyncadd.s32 @!p0 $0xFFFFC000  }
0x2b: {  	[tilespmem:s19], [sflag:$0x6] =	stream.indirect.gather [hbm4b:s3+s10], $0x80, s28, s10, $0xb8;
	[tilespmem:$0x1CE80] =	vst v63  }
0x2c: {  	_ =	swait.ge [sflag:s20], $0x4000  }
0x2d: {  	p0 =	por $0x0, $0x0;
	[sflag:s20] =	ssyncset.done $0x0  }
0x2e: {  	s29 =	sadd.s32 $0x800, s26;
	s4 =	simm.s32 @p0 $0x3;
	[sflag:s20] =	ssyncadd.s32 $0xFFFFC000  }
0x2f: {  	[hbm4b:s29+s2] =	stream.linear.scatter [tilespmem:s12], [sflag:$0x8], $0x4000, $0x38;
	[tilespmem:$0x1CE80] =	vst v63  }
0x30: {  	_ =	swait.ge @p0 [sflag:s4], $0x4000  }
0x31: {  	s6 =	simm.s32 @p0 $0xCE80;
	s13 =	simm.s32 @!p0 $0x7;
	[sflag:s4] =	ssyncset.done @p0 $0x0  }
0x32: {  	s5 =	rddreg [dreg:$0x3];
	[sflag:s4] =	ssyncadd.s32 @p0 $0xFFFFC000;
	s4 =	simm.s32 @p0 $0x0  }
0x33: {  	[hbm4b:s5+s4] =	stream.linear.scatter @p0 [tilespmem:s6], [sflag:$0x9], $0x4000, $0x38;
	[tilespmem:$0x1CE80] =	vst v63  }
0x34: {  	_ =	swait.ge @!p0 [sflag:s13], $0x4000  }
0x35: {  	s4 =	simm.s32 @!p0 $0x300;
	s5 =	simm.s32 @!p0 $0x80;
	[sflag:s13] =	ssyncset.done @!p0 $0x0  }
0x36: {  	s6 =	simm.s32 @!p0 $0x4E80;
	[sflag:s13] =	ssyncadd.s32 @!p0 $0xFFFFC000;
	s13 =	simm.s32 @!p0 $0x3  }
0x37: {  	[tilespmem:s6], [sflag:$0x1] =	stream.indirect.gather @!p0 [hbm4b:s3+s5], $0x80, s4, s5, $0xb8;
	[tilespmem:$0x1CE80] =	vst v63  }
0x38: {  	_ =	swait.ge @!p0 [sflag:s13], $0x4000  }
0x39: {  	s4 =	sadd.s32 @!p0 s31, s8;
	s6 =	simm.s32 @!p0 $0x0;
	[sflag:s13] =	ssyncset.done @!p0 $0x0  }
0x3a: {  	s4 =	sadd.s32 @!p0 $0x1000, s4;
	[sflag:s13] =	ssyncadd.s32 @!p0 $0xFFFFC000;
	s13 =	simm.s32 @!p0 $0xCE80  }
0x3b: {  	[hbm4b:s4+s6] =	stream.linear.scatter @!p0 [tilespmem:s13], [sflag:$0x9], $0x4000, $0x38;
	[tilespmem:$0x1CE80] =	vst v63  }
0x3c: {  	s4 =	simm.s32 @!p0 $0x8  }
0x3d: {  	_ =	swait.ge @!p0 [sflag:s4], $0x4000  }
0x3e: {  	[sflag:s4] =	ssyncset.done @!p0 $0x0  }
0x3f: {  	s6 =	simm.s32 @!p0 $0x380;
	[sflag:s4] =	ssyncadd.s32 @!p0 $0xFFFFC000;
	s4 =	simm.s32 @!p0 $0x8E80  }
0x40: {  	[tilespmem:s4], [sflag:$0x2] =	stream.indirect.gather @!p0 [hbm4b:s3+s5], $0x80, s6, s5, $0xb8;
	[tilespmem:$0x1CE80] =	vst v63  }
0x41: {  	_ =	swait.ge [sflag:s21], $0x4000  }
0x42: {  	[sflag:s21] =	ssyncset.done $0x0  }
0x43: {  	s1 =	sadd.s32 $0x1800, s26;
	s4 =	simm.s32 @!p0 $0x9;
	[sflag:s21] =	ssyncadd.s32 $0xFFFFC000  }
0x44: {  	[hbm4b:s1+s2] =	stream.linear.scatter [tilespmem:s16], [sflag:$0xA], $0x4000, $0x38;
	[tilespmem:$0x1CE80] =	vst v63  }
0x45: {  	_ =	swait.ge @!p0 [sflag:s4], $0x4000  }
0x46: {  	[sflag:s4] =	ssyncset.done @!p0 $0x0  }
0x47: {  	s1 =	simm.s32 @!p0 $0x400;
	[sflag:s4] =	ssyncadd.s32 @!p0 $0xFFFFC000  }
0x48: {  	[tilespmem:s13], [sflag:$0x3] =	stream.indirect.gather @!p0 [hbm4b:s3+s5], $0x80, s1, s5, $0xb8;
	[tilespmem:$0x1CE80] =	vst v63  }
0x49: {  	_ =	swait.ge [sflag:s22], $0x4000  }
0x4a: {  	s30 =	rddreg [dreg:$0x5];
	[sflag:s22] =	ssyncset.done $0x0  }
0x4b: {  	s4 =	simm.s32 @!p0 $0xA;
	[sflag:s22] =	ssyncadd.s32 $0xFFFFC000;
	s1 =	sadd.s32 s31, s30  }
0x4c: {  	[hbm4b:s1+s2] =	stream.linear.scatter [tilespmem:s17], [sflag:$0xB], $0x4000, $0x38;
	[tilespmem:$0x1CE80] =	vst v63  }
0x4d: {  	_ =	swait.ge @!p0 [sflag:s4], $0x4000  }
0x4e: {  	p6 =	por $0x0, $0x0;
	[sflag:s4] =	ssyncset.done @!p0 $0x0  }
0x4f: {  	s6 =	simm.s32 @!p0 $0x10E80;
	s1 =	simm.s32 @!p0 $0x480;
	[sflag:s4] =	ssyncadd.s32 @!p0 $0xFFFFC000  }
0x50: {  	[tilespmem:s6], [sflag:$0x4] =	stream.indirect.gather @!p0 [hbm4b:s3+s5], $0x80, s1, s5, $0xb8;
	[tilespmem:$0x1CE80] =	vst v63  }
0x51: {  	s14 =	simm.s32 $0xC00;
	s15 =	simm.s32 $0x1800;
	_ =	swait.ge [sflag:s23], $0x4000  }
0x52: {  	s13 =	sadd.s32 $0x3000, s31;
	s4 =	smov.u32 s31;
	[sflag:s23] =	ssyncset.done $0x0  }
0x53: {  	p0 =	por p6, p6;
	s1 =	rddreg [dreg:$0x4];
	[sflag:s23] =	ssyncadd.s32 $0xFFFFC000  }
.LBB2_2:
0x54: {  	s5 =	simm.s32 @!p0 $0xB;
	s1 =	sadd.s32 s4, s1  }
0x55: {  	[hbm4b:s1+s2] =	stream.linear.scatter [tilespmem:s19], [sflag:$0xC], $0x4000, $0x38;
	[tilespmem:$0x1CE80] =	vst v63  }
0x56: {  	_ =	swait.ge @!p0 [sflag:s5], $0x4000  }
0x57: {  	s7 =	sshra.s32 s14, $0x2;
	[sflag:s5] =	ssyncset.done @!p0 $0x0  }
0x58: {  	s26 =	sadd.s32 $0x200, s7;
	[sflag:s5] =	ssyncadd.s32 @!p0 $0xFFFFC000  }
0x59: {  	[tilespmem:s17], [sflag:$0x5] =	stream.indirect.gather [hbm4b:s3+s10], $0x80, s26, s10, $0xb8;
	[tilespmem:$0x1CE80] =	vst v63  }
0x5a: {  	_ =	swait.ge [sflag:s18], $0x4000  }
0x5b: {  	[sflag:s18] =	ssyncset.done $0x0  }
0x5c: {  	s1 =	sadd.s32 s13, s8;
	s5 =	simm.s32 @!p0 $0xC;
	[sflag:s18] =	ssyncadd.s32 $0xFFFFC000  }
0x5d: {  	[hbm4b:s1+s2] =	stream.linear.scatter [tilespmem:s11], [sflag:$0x7], $0x4000, $0x38;
	[tilespmem:$0x1CE80] =	vst v63  }
0x5e: {  	_ =	swait.ge @!p0 [sflag:s5], $0x4000  }
0x5f: {  	p2 =	seq.s32 s15, $0x0;
	s6 =	smov.u32 s15;
	[sflag:s5] =	ssyncset.done @!p0 $0x0  }
0x60: {  	s28 =	sadd.s32 $0x280, s7;
	s29 =	sadd.s32 $0x800, s1;
	[sflag:s5] =	ssyncadd.s32 @!p0 $0xFFFFC000  }
0x61: {  	[tilespmem:s19], [sflag:$0x6] =	stream.indirect.gather [hbm4b:s3+s10], $0x80, s28, s10, $0xb8;
	[tilespmem:$0x1CE80] =	vst v63  }
0x62: {  	p0 =	por p2, p2;
	p2 =	seq.s32 s14, $0x12C00;
	_ =	swait.ge [sflag:s20], $0x4000  }
0x63: {  	s5 =	simm.s32 @p2 $0x3;
	s7 =	sshra.s32 @!p2 s14, $0x2;
	[sflag:s20] =	ssyncset.done $0x0  }
0x64: {  	s14 =	sadd.s32 @!p2 s13, s8;
	s28 =	simm.s32 @p2 $0x0;
	[sflag:s20] =	ssyncadd.s32 $0xFFFFC000  }
0x65: {  	[hbm4b:s29+s2] =	stream.linear.scatter [tilespmem:s12], [sflag:$0x8], $0x4000, $0x38;
	[tilespmem:$0x1CE80] =	vst v63  }
0x66: {  	s30 =	simm.s32 @!p2 $0x7;
	s24 =	sadd.s32 @!p2 $0x300, s7;
	_ =	swait.ge @p2 [sflag:s5], $0x4000  }
0x67: {  	s25 =	sadd.s32 @!p2 $0x1000, s14;
	s26 =	sadd.s32 @!p2 $0x380, s7;
	[sflag:s5] =	ssyncset.done @p2 $0x0  }
0x68: {  	s29 =	simm.s32 @p2 $0xCE80;
	s14 =	rddreg [dreg:$0x3];
	[sflag:s5] =	ssyncadd.s32 @p2 $0xFFFFC000  }
0x69: {  	[hbm4b:s14+s28] =	stream.linear.scatter @p2 [tilespmem:s29], [sflag:$0x9], $0x4000, $0x38;
	[tilespmem:$0x1CE80] =	vst v63  }
0x6a: {  	s9 =	sadd.s32 @!p2 $0x400, s7;
	s5 =	sadd.s32 @!p2 $0x480, s7;
	_ =	swait.ge @!p2 [sflag:s30], $0x4000  }
0x6b: {  	s7 =	simm.s32 @!p2 $0x4E80;
	s14 =	smov.u32 s6;
	[sflag:s30] =	ssyncset.done @!p2 $0x0  }
0x6c: {  	s6 =	simm.s32 @!p2 $0x80;
	s28 =	simm.s32 @!p2 $0x3;
	[sflag:s30] =	ssyncadd.s32 @!p2 $0xFFFFC000  }
0x6d: {  	[tilespmem:s7], [sflag:$0x1] =	stream.indirect.gather @!p2 [hbm4b:s3+s6], $0x80, s24, s6, $0xb8;
	[tilespmem:$0x1CE80] =	vst v63  }
0x6e: {  	_ =	swait.ge @!p2 [sflag:s28], $0x4000  }
0x6f: {  	s7 =	simm.s32 @!p2 $0x0;
	[sflag:s28] =	ssyncset.done @!p2 $0x0  }
0x70: {  	s24 =	simm.s32 @!p2 $0xCE80;
	[sflag:s28] =	ssyncadd.s32 @!p2 $0xFFFFC000;
	s28 =	simm.s32 @!p2 $0x8  }
0x71: {  	[hbm4b:s25+s7] =	stream.linear.scatter @!p2 [tilespmem:s24], [sflag:$0x9], $0x4000, $0x38;
	[tilespmem:$0x1CE80] =	vst v63  }
0x72: {  	_ =	swait.ge @!p2 [sflag:s28], $0x4000  }
0x73: {  	[sflag:s28] =	ssyncset.done @!p2 $0x0  }
0x74: {  	s7 =	simm.s32 @!p2 $0x8E80;
	[sflag:s28] =	ssyncadd.s32 @!p2 $0xFFFFC000  }
0x75: {  	[tilespmem:s7], [sflag:$0x2] =	stream.indirect.gather @!p2 [hbm4b:s3+s6], $0x80, s26, s6, $0xb8;
	[tilespmem:$0x1CE80] =	vst v63  }
0x76: {  	_ =	swait.ge [sflag:s21], $0x4000  }
0x77: {  	[sflag:s21] =	ssyncset.done $0x0  }
0x78: {  	s1 =	sadd.s32 $0x1800, s1;
	s7 =	simm.s32 @!p2 $0x9;
	[sflag:s21] =	ssyncadd.s32 $0xFFFFC000  }
0x79: {  	[hbm4b:s1+s2] =	stream.linear.scatter [tilespmem:s16], [sflag:$0xA], $0x4000, $0x38;
	[tilespmem:$0x1CE80] =	vst v63  }
0x7a: {  	_ =	swait.ge @!p2 [sflag:s7], $0x4000  }
0x7b: {  	[sflag:s7] =	ssyncset.done @!p2 $0x0  }
0x7c: {  	[sflag:s7] =	ssyncadd.s32 @!p2 $0xFFFFC000  }
0x7d: {  	[tilespmem:s24], [sflag:$0x3] =	stream.indirect.gather @!p2 [hbm4b:s3+s6], $0x80, s9, s6, $0xb8;
	[tilespmem:$0x1CE80] =	vst v63  }
0x7e: {  	_ =	swait.ge [sflag:s22], $0x4000  }
0x7f: {  	s30 =	rddreg [dreg:$0x5];
	[sflag:s22] =	ssyncset.done $0x0  }
0x80: {  	s7 =	simm.s32 @!p2 $0xA;
	[sflag:s22] =	ssyncadd.s32 $0xFFFFC000;
	s1 =	sadd.s32 s13, s30  }
0x81: {  	[hbm4b:s1+s2] =	stream.linear.scatter [tilespmem:s17], [sflag:$0xB], $0x4000, $0x38;
	[tilespmem:$0x1CE80] =	vst v63  }
0x82: {  	s15 =	sadd.s32 $0xC00, s15;
	_ =	swait.ge @!p2 [sflag:s7], $0x4000  }
0x83: {  	p1 =	sne.s32 s15, $0x13800;
	[sflag:s7] =	ssyncset.done @!p2 $0x0  }
.Ltmp0:
0x84: {  	s1 =	simm.s32 @!p2 $0x10E80;
	[sflag:s7] =	ssyncadd.s32 @!p2 $0xFFFFC000;
	(pc) =	sbr.rel @p1 .LBB2_2-.Ltmp0, $4  }
0x85: {  	[tilespmem:s1], [sflag:$0x4] =	stream.indirect.gather @!p2 [hbm4b:s3+s6], $0x80, s5, s6, $0xb8;
	[tilespmem:$0x1CE80] =	vst v63  }
0x86: {  	_ =	swait.ge [sflag:s23], $0x4000  }
0x87: {  	s4 =	smov.u32 s13;
	[sflag:s23] =	ssyncset.done $0x0  }
0x88: {  	s13 =	sadd.s32 $0x3000, s13;
	s1 =	rddreg [dreg:$0x4];
	[sflag:s23] =	ssyncadd.s32 $0xFFFFC000  }
0x89: {  	s5 =	simm.s32 @!p0 $0xB;
	s1 =	sadd.s32 s4, s1  }
0x8a: {  	[hbm4b:s1+s2] =	stream.linear.scatter [tilespmem:s19], [sflag:$0xC], $0x4000, $0x38;
	[tilespmem:$0x1CE80] =	vst v63  }
0x8b: {  	_ =	swait.ge @!p0 [sflag:s5], $0x4000  }
0x8c: {  	s26 =	sshra.s32 s14, $0x2;
	[sflag:s5] =	ssyncset.done @!p0 $0x0  }
0x8d: {  	s28 =	sadd.s32 $0x200, s26;
	[sflag:s5] =	ssyncadd.s32 @!p0 $0xFFFFC000  }
0x8e: {  	[tilespmem:s17], [sflag:$0x5] =	stream.indirect.gather [hbm4b:s3+s10], $0x80, s28, s10, $0xb8;
	[tilespmem:$0x1CE80] =	vst v63  }
0x8f: {  	_ =	swait.ge [sflag:s18], $0x4000  }
0x90: {  	[sflag:s18] =	ssyncset.done $0x0  }
0x91: {  	s29 =	sadd.s32 s13, s8;
	s5 =	simm.s32 @!p0 $0xC;
	[sflag:s18] =	ssyncadd.s32 $0xFFFFC000  }
0x92: {  	[hbm4b:s29+s2] =	stream.linear.scatter [tilespmem:s11], [sflag:$0x7], $0x4000, $0x38;
	[tilespmem:$0x1CE80] =	vst v63  }
0x93: {  	_ =	swait.ge @!p0 [sflag:s5], $0x4000  }
0x94: {  	[sflag:s5] =	ssyncset.done @!p0 $0x0  }
0x95: {  	s1 =	sadd.s32 $0x280, s26;
	[sflag:s5] =	ssyncadd.s32 @!p0 $0xFFFFC000  }
0x96: {  	[tilespmem:s19], [sflag:$0x6] =	stream.indirect.gather [hbm4b:s3+s10], $0x80, s1, s10, $0xb8;
	[tilespmem:$0x1CE80] =	vst v63  }
0x97: {  	_ =	swait.ge [sflag:s20], $0x4000  }
0x98: {  	p0 =	seq.s32 s14, $0x12C00;
	[sflag:s20] =	ssyncset.done $0x0  }
0x99: {  	s30 =	sadd.s32 $0x800, s29;
	s1 =	simm.s32 @p0 $0x3;
	[sflag:s20] =	ssyncadd.s32 $0xFFFFC000  }
0x9a: {  	[hbm4b:s30+s2] =	stream.linear.scatter [tilespmem:s12], [sflag:$0x8], $0x4000, $0x38;
	[tilespmem:$0x1CE80] =	vst v63  }
0x9b: {  	_ =	swait.ge @p0 [sflag:s1], $0x4000  }
0x9c: {  	s6 =	simm.s32 @p0 $0xCE80;
	s7 =	simm.s32 @!p0 $0x7;
	[sflag:s1] =	ssyncset.done @p0 $0x0  }
0x9d: {  	s5 =	rddreg [dreg:$0x3];
	[sflag:s1] =	ssyncadd.s32 @p0 $0xFFFFC000;
	s1 =	simm.s32 @p0 $0x0  }
0x9e: {  	[hbm4b:s5+s1] =	stream.linear.scatter @p0 [tilespmem:s6], [sflag:$0x9], $0x4000, $0x38;
	[tilespmem:$0x1CE80] =	vst v63  }
0x9f: {  	s9 =	simm.s32 @!p0 $0x4E80;
	_ =	swait.ge @!p0 [sflag:s7], $0x4000  }
0xa0: {  	s1 =	sshra.s32 @!p0 s14, $0x2;
	s6 =	simm.s32 @!p0 $0x80;
	[sflag:s7] =	ssyncset.done @!p0 $0x0  }
0xa1: {  	s5 =	sadd.s32 @!p0 $0x300, s1;
	[sflag:s7] =	ssyncadd.s32 @!p0 $0xFFFFC000;
	s7 =	simm.s32 @!p0 $0x3  }
0xa2: {  	[tilespmem:s9], [sflag:$0x1] =	stream.indirect.gather @!p0 [hbm4b:s3+s6], $0x80, s5, s6, $0xb8;
	[tilespmem:$0x1CE80] =	vst v63  }
0xa3: {  	_ =	swait.ge @!p0 [sflag:s7], $0x4000  }
0xa4: {  	s5 =	sadd.s32 @!p0 s13, s8;
	s9 =	simm.s32 @!p0 $0x0;
	[sflag:s7] =	ssyncset.done @!p0 $0x0  }
0xa5: {  	s5 =	sadd.s32 @!p0 $0x1000, s5;
	[sflag:s7] =	ssyncadd.s32 @!p0 $0xFFFFC000;
	s7 =	simm.s32 @!p0 $0xCE80  }
0xa6: {  	[hbm4b:s5+s9] =	stream.linear.scatter @!p0 [tilespmem:s7], [sflag:$0x9], $0x4000, $0x38;
	[tilespmem:$0x1CE80] =	vst v63  }
0xa7: {  	s5 =	simm.s32 @!p0 $0x8  }
0xa8: {  	_ =	swait.ge @!p0 [sflag:s5], $0x4000  }
0xa9: {  	[sflag:s5] =	ssyncset.done @!p0 $0x0  }
0xaa: {  	s9 =	sadd.s32 @!p0 $0x380, s1;
	[sflag:s5] =	ssyncadd.s32 @!p0 $0xFFFFC000;
	s5 =	simm.s32 @!p0 $0x8E80  }
0xab: {  	[tilespmem:s5], [sflag:$0x2] =	stream.indirect.gather @!p0 [hbm4b:s3+s6], $0x80, s9, s6, $0xb8;
	[tilespmem:$0x1CE80] =	vst v63  }
0xac: {  	_ =	swait.ge [sflag:s21], $0x4000  }
0xad: {  	[sflag:s21] =	ssyncset.done $0x0  }
0xae: {  	s4 =	sadd.s32 $0x1800, s29;
	[sflag:s21] =	ssyncadd.s32 $0xFFFFC000  }
0xaf: {  	[hbm4b:s4+s2] =	stream.linear.scatter [tilespmem:s16], [sflag:$0xA], $0x4000, $0x38;
	[tilespmem:$0x1CE80] =	vst v63  }
0xb0: {  	s4 =	simm.s32 @!p0 $0x9  }
0xb1: {  	_ =	swait.ge @!p0 [sflag:s4], $0x4000  }
0xb2: {  	[sflag:s4] =	ssyncset.done @!p0 $0x0  }
0xb3: {  	[sflag:s4] =	ssyncadd.s32 @!p0 $0xFFFFC000;
	s4 =	sadd.s32 @!p0 $0x400, s1  }
0xb4: {  	[tilespmem:s7], [sflag:$0x3] =	stream.indirect.gather @!p0 [hbm4b:s3+s6], $0x80, s4, s6, $0xb8;
	[tilespmem:$0x1CE80] =	vst v63  }
0xb5: {  	_ =	swait.ge [sflag:s22], $0x4000  }
0xb6: {  	s5 =	rddreg [dreg:$0x5];
	[sflag:s22] =	ssyncset.done $0x0  }
0xb7: {  	[sflag:s22] =	ssyncadd.s32 $0xFFFFC000;
	s4 =	sadd.s32 s13, s5  }
0xb8: {  	[hbm4b:s4+s2] =	stream.linear.scatter [tilespmem:s17], [sflag:$0xB], $0x4000, $0x38;
	[tilespmem:$0x1CE80] =	vst v63  }
0xb9: {  	s4 =	simm.s32 @!p0 $0xA  }
0xba: {  	_ =	swait.ge @!p0 [sflag:s4], $0x4000  }
0xbb: {  	[sflag:s4] =	ssyncset.done @!p0 $0x0  }
0xbc: {  	s1 =	sadd.s32 @!p0 $0x480, s1;
	[sflag:s4] =	ssyncadd.s32 @!p0 $0xFFFFC000;
	s4 =	simm.s32 @!p0 $0x10E80  }
0xbd: {  	[tilespmem:s4], [sflag:$0x4] =	stream.indirect.gather @!p0 [hbm4b:s3+s6], $0x80, s1, s6, $0xb8;
	[tilespmem:$0x1CE80] =	vst v63  }
0xbe: {  	_ =	swait.ge [sflag:s23], $0x4000  }
0xbf: {  	s7 =	rddreg [dreg:$0x4];
	[sflag:s23] =	ssyncset.done $0x0  }
0xc0: {  	s9 =	simm.s32 $0x7;
	s1 =	sadd.s32 s13, s7;
	[sflag:s23] =	ssyncadd.s32 $0xFFFFC000  }
0xc1: {  	[hbm4b:s1+s2] =	stream.linear.scatter [tilespmem:s19], [sflag:$0xC], $0x4000, $0x38;
	[tilespmem:$0x1CE80] =	vst v63  }
0xc2: {  	_ =	swait.ge [sflag:s9], $0x4000  }
0xc3: {  	[sflag:s9] =	ssyncset.done $0x0  }
0xc4: {  	s13 =	simm.s32 $0x8;
	[sflag:s9] =	ssyncadd.s32 $0xFFFFC000  }
0xc5: {  	_ =	swait.ge [sflag:s13], $0x4000  }
0xc6: {  	[sflag:s13] =	ssyncset.done $0x0  }
0xc7: {  	s14 =	simm.s32 $0x9;
	[sflag:s13] =	ssyncadd.s32 $0xFFFFC000  }
0xc8: {  	_ =	swait.ge [sflag:s14], $0x4000  }
0xc9: {  	[sflag:s14] =	ssyncset.done $0x0  }
0xca: {  	s15 =	simm.s32 $0xA;
	[sflag:s14] =	ssyncadd.s32 $0xFFFFC000  }
0xcb: {  	_ =	swait.ge [sflag:s15], $0x4000  }
0xcc: {  	[sflag:s15] =	ssyncset.done $0x0  }
0xcd: {  	s24 =	simm.s32 $0xB;
	[sflag:s15] =	ssyncadd.s32 $0xFFFFC000  }
0xce: {  	_ =	swait.ge [sflag:s24], $0x4000  }
0xcf: {  	[sflag:s24] =	ssyncset.done $0x0  }
0xd0: {  	s25 =	simm.s32 $0xC;
	[sflag:s24] =	ssyncadd.s32 $0xFFFFC000  }
0xd1: {  	_ =	swait.ge [sflag:s25], $0x4000  }
0xd2: {  	[sflag:s25] =	ssyncset.done $0x0  }
0xd3: {  	s26 =	simm.s32 $0x20;
	s28 =	simm.s32 $0x4E00;
	[sflag:s25] =	ssyncadd.s32 $0xFFFFC000  }
0xd4: {  	[tilespmem:s11], [sflag:$0x1] =	stream.indirect.gather [hbm4b:s3+s26], $0x80, s28, s26, $0xb8;
	[tilespmem:$0x1CE80] =	vst v63  }
0xd5: {  	_ =	swait.ge [sflag:s18], $0x1000  }
0xd6: {  	[sflag:s18] =	ssyncset.done $0x0  }
0xd7: {  	s4 =	simm.s32 $0xD;
	s29 =	rddreg [dreg:$0x7];
	[sflag:s18] =	ssyncadd.s32 $0xFFFFF000  }
0xd8: {  	[hbm4b:s29+s2] =	stream.linear.scatter [tilespmem:s11], [sflag:$0xD], $0x1000, $0x38;
	[tilespmem:$0x1CE80] =	vst v63  }
0xd9: {  	_ =	swait.ge [sflag:s4], $0x1000  }
0xda: {  	s0 =	sadd.s32 $0x1, s0;
	s30 =	rddreg [dreg:$0x8]  }
0xdb: {  	p0 =	sne.s32 s0, s30  }
.Ltmp1:
0xdc: {  	_ = 	snop;
	(pc) =	sbr.rel @p0 .LBB2_1-.Ltmp1, $3  }
0xdd: {  	_ =	sdelay $0x1  }
0xde: {  	[sflag:s4] =	ssyncset.done $0x0  }
0xdf: {  	[sflag:s4] =	ssyncadd.s32 $0xFFFFF000  }
0xe0: {  	_ =	sfence.sel $0x180000  }
0xe1: {  	[bflag:$0x0] =	sbarrier.arrive $0xFFFF  }
0xe2: {  	_ =	strace $0x90000047  }
0xe3: {  	s0 =	stileid.u32;
	[bflag:$0x2] =	sbarrier.arrive $0xFFFF  }
0xe4: {  	p0 =	sne.s32 s0, $0x0;
	s0 =	rddreg [dreg:$0x2]  }
0xe5: {  	s0 =	sadd.s32 @!p0 $0x100000, s0  }
0xe6: {  	[sflag:s0] =	ssyncadd.tile.s32 @!p0 $0x1;
	_ =	shalt  }
.Lfunc_end2:
_tile_overlayer_lowered:
.L_overlay_start_2:
0xe7: {  	(tag) =	ssettag $0x2  }
0xe8: {  	s0 =	rddreg [dreg:$0x0];
	s2 =	stileid.u32  }
0xe9: {  	s1 =	rddreg [dreg:$0x1];
	p0 =	sne.s32 s2, $0x0  }
0xea: {  	s3 =	rddreg [dreg:$0x2];
	[bflag:$0x3] =	sbarrier.arrive $0xFFFF;
	s2 =	simm.s32 @!p0 $0x1C0D  }
0xeb: {  	[timem:s3], [sflag:s2] =	dma.local @!p0 [hbm:s0], s1  }
0xec: {  	s0 =	simm.s32 @!p0 $0xD  }
0xed: {  	_ =	swait.ge @!p0 [sflag:s0], s1  }
0xee: {  	s1 =	ssub.s32 @!p0 $0x0, s1;
	[sflag:s0] =	ssyncset.done @!p0 $0x0  }
0xef: {  	[sflag:s0] =	ssyncadd.s32 @!p0 s1  }
0xf0: {  	[bflag:$0x3] =	sbarrier.arrive $0xFFFF  }
0xf1: {  	_ =	shalt  }

</sc_bundles>
